<compile_context>
chip_gen: v7x
topology: tpu7x:2x2x1
jax: 0.10.2.dev20260603
libtpu: 0.0.44.dev20260713+nightly
codegen_flags: <defaults>
</compile_context>

<pallas_src>
import functools

import jax
import jax.numpy as jnp
from jax import lax
from jax.experimental import pallas as pl
from jax.experimental.pallas import tpu as pltpu
from jax.experimental.pallas import tpu_sc as plsc

_BATCH = 4096
_FIELDS = 26
_EMB_DIM = 32
_VOCAB = 1000002
_NC, _NS = 2, 16
_NW = _NC * _NS
_NB = _BATCH // 128
_TILES = _FIELDS * _NB
_TPW = _TILES // _NW

_mesh = plsc.VectorSubcoreMesh(core_axis_name="c", subcore_axis_name="s")
_params = pltpu.CompilerParams(
    needs_layout_passes=False, use_tc_tiling_on_sc=False
)


@functools.partial(
    pl.kernel,
    out_type=jax.ShapeDtypeStruct((_FIELDS, _EMB_DIM, _BATCH), jnp.float32),
    mesh=_mesh,
    scratch_types=[
        pltpu.VMEM((128,), jnp.int32),
        pltpu.VMEM((128,), jnp.int32),
        pltpu.VMEM((128, _EMB_DIM), jnp.float32),
        pltpu.VMEM((128, _EMB_DIM), jnp.float32),
        pltpu.VMEM((_EMB_DIM, 128), jnp.float32),
        pltpu.VMEM((_EMB_DIM, 128), jnp.float32),
        pltpu.SemaphoreType.DMA,
        pltpu.SemaphoreType.DMA,
        pltpu.SemaphoreType.DMA,
        pltpu.SemaphoreType.DMA,
    ],
    compiler_params=_params,
)
def _sc_gather(table_hbm, xt_hbm, out_hbm, idxA, idxB, rowsA, rowsB,
               outA, outB, sgA, sgB, soA, soB):
    wid = lax.axis_index("s") * _NC + lax.axis_index("c")
    liota = lax.iota(jnp.int32, 16)
    idxs = (idxA, idxB)
    rows = (rowsA, rowsB)
    outs = (outA, outB)
    sgs = (sgA, sgB)
    sos = (soA, soB)

    def fb(t):
        g = wid * _TPW + t
        return g // _NB, g % _NB

    def fetch(t, p):
        f, b = fb(t)
        pltpu.sync_copy(xt_hbm.at[f, pl.ds(b * 128, 128)], idxs[p])
        pltpu.async_copy(table_hbm.at[idxs[p]], rows[p], sgs[p])

    def wait_gather(p):
        pltpu.make_async_copy(
            table_hbm.at[pl.ds(0, 128)], rows[p], sgs[p]
        ).wait()

    def dq(p):
        def body(q, c):
            lanes = liota + q * 16
            for dg in range(_EMB_DIM // 8):
                loads = [
                    plsc.load_gather(
                        rows[p],
                        [lanes, jnp.full((16,), 8 * dg + k, jnp.int32)],
                    )
                    for k in range(8)
                ]
                for k in range(8):
                    outs[p][8 * dg + k, pl.ds(q * 16, 16)] = loads[k]
            return c

        lax.fori_loop(0, 8, body, 0)

    def start_out(t, p):
        f, b = fb(t)
        pltpu.async_copy(
            outs[p], out_hbm.at[f, :, pl.ds(b * 128, 128)], sos[p]
        )

    def wait_out(p):
        pltpu.make_async_copy(
            outs[p], out_hbm.at[0, :, pl.ds(0, 128)], sos[p]
        ).wait()

    fetch(0, 0)

    def outer(s, carry):
        for p in (0, 1):
            t = 2 * s + p

            @pl.when(t + 1 < _TPW)
            def _prefetch():
                fetch(t + 1, 1 - p)

            wait_gather(p)
            dq(p)

            @pl.when(s >= 1)
            def _drain():
                wait_out(p)

            start_out(t, p)
        return carry

    lax.fori_loop(0, _TPW // 2, outer, 0)
    wait_out(0)
    wait_out(1)


def kernel(x, filters, table):
    xt = x.T
    out_t = _sc_gather(table, xt)
    return (out_t.transpose(2, 0, 1), filters)

# --- scband reference (transcript-rebuilt; emitter-appended) ---
"""Pipeline reference for scband-prime-embed-19095424598339 (READ-ONLY COPY).

The authoritative reference and input builder live on the scoring server;
editing this copy changes nothing except your own understanding.
"""

import jax, jax.numpy as jnp
import numpy as np

VOCAB = 500000 * 2 + 2  # input_len * 2 + 2 per 'by_input_len' encode
EMB_DIM = 32
BATCH = 4096
FIELDS = 26


def setup_inputs(seed: int = 0) -> dict:
    key = jax.random.key(seed)
    k1, k2 = jax.random.split(key, 2)
    x = jax.random.randint(k1, (BATCH, FIELDS), 0, VOCAB, dtype=jnp.int32)
    filters = jnp.zeros((1,), dtype=jnp.float32)
    table = jax.random.normal(k2, (VOCAB, EMB_DIM), dtype=jnp.float32)
    return {"x": x, "filters": filters, "table": table}


def reference(x, filters, table):
    # Faithful translation of the 'by_input_len' branch:
    #   x = x.to(torch.int64); x = self.embedding(x); return (x, filters)
    idx = x.astype(jnp.int32)
    out = jnp.take(table, idx, axis=0)
    return (out, filters)

if __name__ == "__main__":
    import jax
    _d = setup_inputs()
    print(jax.jit(kernel)(*tuple(_d.values())))

</pallas_src>

<mosaic_0001>
#map = affine_map<(d0, d1) -> (0, 0)>
#map1 = affine_map<(d0, d1) -> (0, 0, 0)>
module attributes {stable_mosaic.version = 14 : i64} {
  func.func @_sc_gather(%arg0: i32, %arg1: i32, %arg2: memref<1000002x32xf32, #tpu.memory_space<hbm>>, %arg3: memref<26x4096xi32, #tpu.memory_space<hbm>>, %arg4: memref<26x32x4096xf32, #tpu.memory_space<hbm>>, %arg5: memref<128xi32, #tpu.memory_space<vmem>>, %arg6: memref<128xi32, #tpu.memory_space<vmem>>, %arg7: memref<128x32xf32, #tpu.memory_space<vmem>>, %arg8: memref<128x32xf32, #tpu.memory_space<vmem>>, %arg9: memref<32x128xf32, #tpu.memory_space<vmem>>, %arg10: memref<32x128xf32, #tpu.memory_space<vmem>>, %arg11: memref<!tpu.dma_semaphore, #tpu.memory_space<semaphore_mem>>, %arg12: memref<!tpu.dma_semaphore, #tpu.memory_space<semaphore_mem>>, %arg13: memref<!tpu.dma_semaphore, #tpu.memory_space<semaphore_mem>>, %arg14: memref<!tpu.dma_semaphore, #tpu.memory_space<semaphore_mem>>) attributes {dimension_semantics = [#tpu.dimension_semantics<core_parallel>, #tpu.dimension_semantics<subcore_parallel>], iteration_bounds = array<i64: 2, 16>, scalar_prefetch = 0 : i64, scratch_operands = 10 : i64, tpu.core_type = #tpu.core_type<sc_vector_subcore>, window_params = [{transform_indices = #map}, {transform_indices = #map}, {transform_indices = #map1}]} {
    %mul3A = arith.constant 2 : i32
    %mul3A_0 = arith.muli %arg1, %mul3A : i32
    %add3A = arith.addi %mul3A_0, %arg0 : i32
    %iota3A = tpu.iota {dimensions = array<i32: 0>} : vector<16xi32>
    %mul3A_1 = arith.constant 26 : i32
    %mul3A_2 = arith.muli %add3A, %mul3A_1 : i32
    %add3A_3 = arith.constant 0 : i32
    %add3A_4 = arith.addi %mul3A_2, %add3A_3 : i32
    %jit3A = arith.constant 32 : i32
    %div3A = arith.divsi %add3A_4, %jit3A : i32
    %sign3A = arith.constant 0 : i32
    %sign3A_5 = arith.cmpi sgt, %add3A_4, %sign3A : i32
    %sign3A_6 = arith.extui %sign3A_5 : i1 to i32
    %sign3A_7 = arith.constant 0 : i32
    %sign3A_8 = arith.cmpi slt, %add3A_4, %sign3A_7 : i32
    %sign3A_9 = arith.extui %sign3A_8 : i1 to i32
    %sign3A_10 = arith.subi %sign3A_6, %sign3A_9 : i32
    %sign3A_11 = arith.constant 0 : i32
    %sign3A_12 = arith.cmpi sgt, %jit3A, %sign3A_11 : i32
    %sign3A_13 = arith.extui %sign3A_12 : i1 to i32
    %sign3A_14 = arith.constant 0 : i32
    %sign3A_15 = arith.cmpi slt, %jit3A, %sign3A_14 : i32
    %sign3A_16 = arith.extui %sign3A_15 : i1 to i32
    %sign3A_17 = arith.subi %sign3A_13, %sign3A_16 : i32
    %ne3A = arith.cmpi ne, %sign3A_10, %sign3A_17 : i32
    %rem3A = arith.remsi %add3A_4, %jit3A : i32
    %ne3A_18 = arith.constant 0 : i32
    %ne3A_19 = arith.cmpi ne, %rem3A, %ne3A_18 : i32
    %and3A = arith.andi %ne3A, %ne3A_19 : i1
    %sub3A = arith.constant 1 : i32
    %sub3A_20 = arith.subi %div3A, %sub3A : i32
    %select_n3A = arith.select %and3A, %sub3A_20, %div3A : i32
    %jit3A_21 = arith.constant 32 : i32
    %eq3A = arith.constant 0 : i32
    %eq3A_22 = arith.cmpi eq, %jit3A_21, %eq3A : i32
    %jit3A_23 = arith.constant 1 : i32
    %select_n3A_24 = arith.select %eq3A_22, %jit3A_23, %jit3A_21 : i32
    %rem3A_25 = arith.remsi %add3A_4, %select_n3A_24 : i32
    %ne3A_26 = arith.constant 0 : i32
    %ne3A_27 = arith.cmpi ne, %rem3A_25, %ne3A_26 : i32
    %lt3A = arith.constant 0 : i32
    %lt3A_28 = arith.cmpi slt, %rem3A_25, %lt3A : i32
    %lt3A_29 = arith.constant 0 : i32
    %lt3A_30 = arith.cmpi slt, %select_n3A_24, %lt3A_29 : i32
    %ne3A_31 = arith.xori %lt3A_28, %lt3A_30 : i1
    %and3A_32 = arith.andi %ne3A_31, %ne3A_27 : i1
    %add3A_33 = arith.addi %rem3A_25, %select_n3A_24 : i32
    %select_n3A_34 = arith.select %and3A_32, %add3A_33, %rem3A_25 : i32
    %mul3A_35 = arith.constant 128 : i32
    %mul3A_36 = arith.muli %select_n3A_34, %mul3A_35 : i32
    "tpu.region"() ({
      %run_scoped3A = tpu.sem_alloc : memref<!tpu.dma_semaphore, #tpu.memory_space<semaphore_mem>>
      %dma_start3A_61 = tpu.memref_slice %arg3[%select_n3A, %mul3A_36] : memref<26x4096xi32, #tpu.memory_space<hbm>> -> memref<1x128xi32, #tpu.memory_space<hbm>>
      %dma_start3A_62 = tpu.memref_squeeze %dma_start3A_61 : memref<1x128xi32, #tpu.memory_space<hbm>> -> memref<128xi32, #tpu.memory_space<hbm>>
      %dma_start3A_63 = tpu.memref_slice %arg3[%select_n3A, %mul3A_36] : memref<26x4096xi32, #tpu.memory_space<hbm>> -> memref<1x128xi32, #tpu.memory_space<hbm>>
      %dma_start3A_64 = tpu.memref_squeeze %dma_start3A_63 : memref<1x128xi32, #tpu.memory_space<hbm>> -> memref<128xi32, #tpu.memory_space<hbm>>
      tpu.enqueue_dma source(%dma_start3A_64 : memref<128xi32, #tpu.memory_space<hbm>>) target(%arg5 : memref<128xi32, #tpu.memory_space<vmem>>) target_semaphore(%run_scoped3A : memref<!tpu.dma_semaphore, #tpu.memory_space<semaphore_mem>>)
      %dma_wait3A_65 = tpu.memref_slice %arg3[%select_n3A, %mul3A_36] : memref<26x4096xi32, #tpu.memory_space<hbm>> -> memref<1x128xi32, #tpu.memory_space<hbm>>
      %dma_wait3A_66 = tpu.memref_squeeze %dma_wait3A_65 : memref<1x128xi32, #tpu.memory_space<hbm>> -> memref<128xi32, #tpu.memory_space<hbm>>
      %dma_wait3A_67 = tpu.memref_slice %arg3[%select_n3A, %mul3A_36] : memref<26x4096xi32, #tpu.memory_space<hbm>> -> memref<1x128xi32, #tpu.memory_space<hbm>>
      %dma_wait3A_68 = tpu.memref_squeeze %dma_wait3A_67 : memref<1x128xi32, #tpu.memory_space<hbm>> -> memref<128xi32, #tpu.memory_space<hbm>>
      tpu.wait_dma2 semaphore(%run_scoped3A : memref<!tpu.dma_semaphore, #tpu.memory_space<semaphore_mem>>) src(%dma_wait3A_68 : memref<128xi32, #tpu.memory_space<hbm>>) dst(%arg5 : memref<128xi32, #tpu.memory_space<vmem>>)
      tpu.yield
    }) : () -> ()
    %dma_start3A = arith.constant 0 : i32
    %dma_start3A_37 = arith.constant 0 : i32
    %dma_start3A_38 = tpu.memref_slice %arg2[%dma_start3A, %dma_start3A_37] : memref<1000002x32xf32, #tpu.memory_space<hbm>> -> memref<1000002x32xf32, #tpu.memory_space<hbm>>
    tpu.enqueue_indirect_dma source(%dma_start3A_38 : memref<1000002x32xf32, #tpu.memory_space<hbm>>) target(%arg7 : memref<128x32xf32, #tpu.memory_space<vmem>>) offsets(%arg5 : memref<128xi32, #tpu.memory_space<vmem>>) semaphore(%arg11 : memref<!tpu.dma_semaphore, #tpu.memory_space<semaphore_mem>>)
    %scan3A = arith.constant 0 : i32
    %scan3A_39 = arith.constant 0 : i32
    %scan3A_40 = arith.constant 13 : i32
    %scan3A_41 = arith.addi %scan3A_39, %scan3A_40 : i32
    %scan3A_42 = arith.constant 1 : i32
    scf.for %scan3A_61 = %scan3A_39 to %scan3A_41 step %scan3A_42  : i32 {
      %mul3A_62 = arith.constant 2 : i32
      %mul3A_63 = arith.muli %mul3A_62, %scan3A_61 : i32
      %add3A_64 = arith.constant 0 : i32
      %add3A_65 = arith.addi %mul3A_63, %add3A_64 : i32
      %add3A_66 = arith.constant 1 : i32
      %add3A_67 = arith.addi %add3A_65, %add3A_66 : i32
      %lt3A_68 = arith.constant 26 : i32
      %lt3A_69 = arith.cmpi slt, %add3A_67, %lt3A_68 : i32
      %convert_element_type3A = arith.extui %lt3A_69 : i1 to i32
      %cond3A = arith.constant 0 : i32
      %cond3A_70 = arith.cmpi ne, %convert_element_type3A, %cond3A : i32
      scf.if %cond3A_70 {
        %add3A_217 = arith.constant 1 : i32
        %add3A_218 = arith.addi %add3A_65, %add3A_217 : i32
        %mul3A_219 = arith.constant 26 : i32
        %mul3A_220 = arith.muli %add3A, %mul3A_219 : i32
        %add3A_221 = arith.addi %mul3A_220, %add3A_218 : i32
        %jit3A_222 = arith.constant 32 : i32
        %div3A_223 = arith.divsi %add3A_221, %jit3A_222 : i32
        %sign3A_224 = arith.constant 0 : i32
        %sign3A_225 = arith.cmpi sgt, %add3A_221, %sign3A_224 : i32
        %sign3A_226 = arith.extui %sign3A_225 : i1 to i32
        %sign3A_227 = arith.constant 0 : i32
        %sign3A_228 = arith.cmpi slt, %add3A_221, %sign3A_227 : i32
        %sign3A_229 = arith.extui %sign3A_228 : i1 to i32
        %sign3A_230 = arith.subi %sign3A_226, %sign3A_229 : i32
        %sign3A_231 = arith.constant 0 : i32
        %sign3A_232 = arith.cmpi sgt, %jit3A_222, %sign3A_231 : i32
        %sign3A_233 = arith.extui %sign3A_232 : i1 to i32
        %sign3A_234 = arith.constant 0 : i32
        %sign3A_235 = arith.cmpi slt, %jit3A_222, %sign3A_234 : i32
        %sign3A_236 = arith.extui %sign3A_235 : i1 to i32
        %sign3A_237 = arith.subi %sign3A_233, %sign3A_236 : i32
        %ne3A_238 = arith.cmpi ne, %sign3A_230, %sign3A_237 : i32
        %rem3A_239 = arith.remsi %add3A_221, %jit3A_222 : i32
        %ne3A_240 = arith.constant 0 : i32
        %ne3A_241 = arith.cmpi ne, %rem3A_239, %ne3A_240 : i32
        %and3A_242 = arith.andi %ne3A_238, %ne3A_241 : i1
        %sub3A_243 = arith.constant 1 : i32
        %sub3A_244 = arith.subi %div3A_223, %sub3A_243 : i32
        %select_n3A_245 = arith.select %and3A_242, %sub3A_244, %div3A_223 : i32
        %jit3A_246 = arith.constant 32 : i32
        %eq3A_247 = arith.constant 0 : i32
        %eq3A_248 = arith.cmpi eq, %jit3A_246, %eq3A_247 : i32
        %jit3A_249 = arith.constant 1 : i32
        %select_n3A_250 = arith.select %eq3A_248, %jit3A_249, %jit3A_246 : i32
        %rem3A_251 = arith.remsi %add3A_221, %select_n3A_250 : i32
        %ne3A_252 = arith.constant 0 : i32
        %ne3A_253 = arith.cmpi ne, %rem3A_251, %ne3A_252 : i32
        %lt3A_254 = arith.constant 0 : i32
        %lt3A_255 = arith.cmpi slt, %rem3A_251, %lt3A_254 : i32
        %lt3A_256 = arith.constant 0 : i32
        %lt3A_257 = arith.cmpi slt, %select_n3A_250, %lt3A_256 : i32
        %ne3A_258 = arith.xori %lt3A_255, %lt3A_257 : i1
        %and3A_259 = arith.andi %ne3A_258, %ne3A_253 : i1
        %add3A_260 = arith.addi %rem3A_251, %select_n3A_250 : i32
        %select_n3A_261 = arith.select %and3A_259, %add3A_260, %rem3A_251 : i32
        %mul3A_262 = arith.constant 128 : i32
        %mul3A_263 = arith.muli %select_n3A_261, %mul3A_262 : i32
        "tpu.region"() ({
          %run_scoped3A = tpu.sem_alloc : memref<!tpu.dma_semaphore, #tpu.memory_space<semaphore_mem>>
          %dma_start3A_267 = tpu.memref_slice %arg3[%select_n3A_245, %mul3A_263] : memref<26x4096xi32, #tpu.memory_space<hbm>> -> memref<1x128xi32, #tpu.memory_space<hbm>>
          %dma_start3A_268 = tpu.memref_squeeze %dma_start3A_267 : memref<1x128xi32, #tpu.memory_space<hbm>> -> memref<128xi32, #tpu.memory_space<hbm>>
          %dma_start3A_269 = tpu.memref_slice %arg3[%select_n3A_245, %mul3A_263] : memref<26x4096xi32, #tpu.memory_space<hbm>> -> memref<1x128xi32, #tpu.memory_space<hbm>>
          %dma_start3A_270 = tpu.memref_squeeze %dma_start3A_269 : memref<1x128xi32, #tpu.memory_space<hbm>> -> memref<128xi32, #tpu.memory_space<hbm>>
          tpu.enqueue_dma source(%dma_start3A_270 : memref<128xi32, #tpu.memory_space<hbm>>) target(%arg6 : memref<128xi32, #tpu.memory_space<vmem>>) target_semaphore(%run_scoped3A : memref<!tpu.dma_semaphore, #tpu.memory_space<semaphore_mem>>)
          %dma_wait3A_271 = tpu.memref_slice %arg3[%select_n3A_245, %mul3A_263] : memref<26x4096xi32, #tpu.memory_space<hbm>> -> memref<1x128xi32, #tpu.memory_space<hbm>>
          %dma_wait3A_272 = tpu.memref_squeeze %dma_wait3A_271 : memref<1x128xi32, #tpu.memory_space<hbm>> -> memref<128xi32, #tpu.memory_space<hbm>>
          %dma_wait3A_273 = tpu.memref_slice %arg3[%select_n3A_245, %mul3A_263] : memref<26x4096xi32, #tpu.memory_space<hbm>> -> memref<1x128xi32, #tpu.memory_space<hbm>>
          %dma_wait3A_274 = tpu.memref_squeeze %dma_wait3A_273 : memref<1x128xi32, #tpu.memory_space<hbm>> -> memref<128xi32, #tpu.memory_space<hbm>>
          tpu.wait_dma2 semaphore(%run_scoped3A : memref<!tpu.dma_semaphore, #tpu.memory_space<semaphore_mem>>) src(%dma_wait3A_274 : memref<128xi32, #tpu.memory_space<hbm>>) dst(%arg6 : memref<128xi32, #tpu.memory_space<vmem>>)
          tpu.yield
        }) : () -> ()
        %dma_start3A_264 = arith.constant 0 : i32
        %dma_start3A_265 = arith.constant 0 : i32
        %dma_start3A_266 = tpu.memref_slice %arg2[%dma_start3A_264, %dma_start3A_265] : memref<1000002x32xf32, #tpu.memory_space<hbm>> -> memref<1000002x32xf32, #tpu.memory_space<hbm>>
        tpu.enqueue_indirect_dma source(%dma_start3A_266 : memref<1000002x32xf32, #tpu.memory_space<hbm>>) target(%arg8 : memref<128x32xf32, #tpu.memory_space<vmem>>) offsets(%arg6 : memref<128xi32, #tpu.memory_space<vmem>>) semaphore(%arg12 : memref<!tpu.dma_semaphore, #tpu.memory_space<semaphore_mem>>)
      } else {
      }
      %dma_wait3A_71 = arith.constant 0 : i32
      %dma_wait3A_72 = arith.constant 0 : i32
      %dma_wait3A_73 = tpu.memref_slice %arg2[%dma_wait3A_71, %dma_wait3A_72] : memref<1000002x32xf32, #tpu.memory_space<hbm>> -> memref<128x32xf32, #tpu.memory_space<hbm>>
      %dma_wait3A_74 = arith.constant 0 : i32
      %dma_wait3A_75 = arith.constant 0 : i32
      %dma_wait3A_76 = tpu.memref_slice %arg2[%dma_wait3A_74, %dma_wait3A_75] : memref<1000002x32xf32, #tpu.memory_space<hbm>> -> memref<128x32xf32, #tpu.memory_space<hbm>>
      tpu.wait_dma2 semaphore(%arg11 : memref<!tpu.dma_semaphore, #tpu.memory_space<semaphore_mem>>) src(%dma_wait3A_76 : memref<128x32xf32, #tpu.memory_space<hbm>>) dst(%arg7 : memref<128x32xf32, #tpu.memory_space<vmem>>)
      %scan3A_77 = arith.constant 0 : i32
      %scan3A_78 = arith.constant 0 : i32
      %scan3A_79 = arith.constant 8 : i32
      %scan3A_80 = arith.addi %scan3A_78, %scan3A_79 : i32
      %scan3A_81 = arith.constant 1 : i32
      scf.for %scan3A_217 = %scan3A_78 to %scan3A_80 step %scan3A_81  : i32 {
        %mul3A_218 = arith.constant 16 : i32
        %mul3A_219 = arith.muli %scan3A_217, %mul3A_218 : i32
        %add3A_220 = vector.broadcast %mul3A_219 : i32 to vector<16xi32>
        %add3A_221 = arith.addi %iota3A, %add3A_220 : vector<16xi32>
        %broadcast_in_dim3A = arith.constant 0 : i32
        %broadcast_in_dim3A_222 = vector.broadcast %broadcast_in_dim3A : i32 to vector<16xi32>
        %gather3A = tpu.vector_load_idx %arg7[%add3A_221, %broadcast_in_dim3A_222] : memref<128x32xf32, #tpu.memory_space<vmem>>[vector<16xi32>, vector<16xi32>], vector<16xf32>,
        %broadcast_in_dim3A_223 = arith.constant 1 : i32
        %broadcast_in_dim3A_224 = vector.broadcast %broadcast_in_dim3A_223 : i32 to vector<16xi32>
        %gather3A_225 = tpu.vector_load_idx %arg7[%add3A_221, %broadcast_in_dim3A_224] : memref<128x32xf32, #tpu.memory_space<vmem>>[vector<16xi32>, vector<16xi32>], vector<16xf32>,
        %broadcast_in_dim3A_226 = arith.constant 2 : i32
        %broadcast_in_dim3A_227 = vector.broadcast %broadcast_in_dim3A_226 : i32 to vector<16xi32>
        %gather3A_228 = tpu.vector_load_idx %arg7[%add3A_221, %broadcast_in_dim3A_227] : memref<128x32xf32, #tpu.memory_space<vmem>>[vector<16xi32>, vector<16xi32>], vector<16xf32>,
        %broadcast_in_dim3A_229 = arith.constant 3 : i32
        %broadcast_in_dim3A_230 = vector.broadcast %broadcast_in_dim3A_229 : i32 to vector<16xi32>
        %gather3A_231 = tpu.vector_load_idx %arg7[%add3A_221, %broadcast_in_dim3A_230] : memref<128x32xf32, #tpu.memory_space<vmem>>[vector<16xi32>, vector<16xi32>], vector<16xf32>,
        %broadcast_in_dim3A_232 = arith.constant 4 : i32
        %broadcast_in_dim3A_233 = vector.broadcast %broadcast_in_dim3A_232 : i32 to vector<16xi32>
        %gather3A_234 = tpu.vector_load_idx %arg7[%add3A_221, %broadcast_in_dim3A_233] : memref<128x32xf32, #tpu.memory_space<vmem>>[vector<16xi32>, vector<16xi32>], vector<16xf32>,
        %broadcast_in_dim3A_235 = arith.constant 5 : i32
        %broadcast_in_dim3A_236 = vector.broadcast %broadcast_in_dim3A_235 : i32 to vector<16xi32>
        %gather3A_237 = tpu.vector_load_idx %arg7[%add3A_221, %broadcast_in_dim3A_236] : memref<128x32xf32, #tpu.memory_space<vmem>>[vector<16xi32>, vector<16xi32>], vector<16xf32>,
        %broadcast_in_dim3A_238 = arith.constant 6 : i32
        %broadcast_in_dim3A_239 = vector.broadcast %broadcast_in_dim3A_238 : i32 to vector<16xi32>
        %gather3A_240 = tpu.vector_load_idx %arg7[%add3A_221, %broadcast_in_dim3A_239] : memref<128x32xf32, #tpu.memory_space<vmem>>[vector<16xi32>, vector<16xi32>], vector<16xf32>,
        %broadcast_in_dim3A_241 = arith.constant 7 : i32
        %broadcast_in_dim3A_242 = vector.broadcast %broadcast_in_dim3A_241 : i32 to vector<16xi32>
        %gather3A_243 = tpu.vector_load_idx %arg7[%add3A_221, %broadcast_in_dim3A_242] : memref<128x32xf32, #tpu.memory_space<vmem>>[vector<16xi32>, vector<16xi32>], vector<16xf32>,
        %mul3A_244 = arith.constant 16 : i32
        %mul3A_245 = arith.muli %scan3A_217, %mul3A_244 : i32
        %swap3A = arith.constant 0 : i32
        %swap3A_246 = arith.index_cast %swap3A : i32 to index
        %swap3A_247 = arith.index_cast %mul3A_245 : i32 to index
        %swap3A_248 = tpu.vector_load %arg9[%swap3A_246, %swap3A_247] {strides = array<i32>} : memref<32x128xf32, #tpu.memory_space<vmem>>, vector<16xf32>,
        tpu.vector_store %arg9[%swap3A_246, %swap3A_247], %gather3A {strides = array<i32>} : memref<32x128xf32, #tpu.memory_space<vmem>>, vector<16xf32>,
        %mul3A_249 = arith.constant 16 : i32
        %mul3A_250 = arith.muli %scan3A_217, %mul3A_249 : i32
        %swap3A_251 = arith.constant 1 : i32
        %swap3A_252 = arith.index_cast %swap3A_251 : i32 to index
        %swap3A_253 = arith.index_cast %mul3A_250 : i32 to index
        %swap3A_254 = tpu.vector_load %arg9[%swap3A_252, %swap3A_253] {strides = array<i32>} : memref<32x128xf32, #tpu.memory_space<vmem>>, vector<16xf32>,
        tpu.vector_store %arg9[%swap3A_252, %swap3A_253], %gather3A_225 {strides = array<i32>} : memref<32x128xf32, #tpu.memory_space<vmem>>, vector<16xf32>,
        %mul3A_255 = arith.constant 16 : i32
        %mul3A_256 = arith.muli %scan3A_217, %mul3A_255 : i32
        %swap3A_257 = arith.constant 2 : i32
        %swap3A_258 = arith.index_cast %swap3A_257 : i32 to index
        %swap3A_259 = arith.index_cast %mul3A_256 : i32 to index
        %swap3A_260 = tpu.vector_load %arg9[%swap3A_258, %swap3A_259] {strides = array<i32>} : memref<32x128xf32, #tpu.memory_space<vmem>>, vector<16xf32>,
        tpu.vector_store %arg9[%swap3A_258, %swap3A_259], %gather3A_228 {strides = array<i32>} : memref<32x128xf32, #tpu.memory_space<vmem>>, vector<16xf32>,
        %mul3A_261 = arith.constant 16 : i32
        %mul3A_262 = arith.muli %scan3A_217, %mul3A_261 : i32
        %swap3A_263 = arith.constant 3 : i32
        %swap3A_264 = arith.index_cast %swap3A_263 : i32 to index
        %swap3A_265 = arith.index_cast %mul3A_262 : i32 to index
        %swap3A_266 = tpu.vector_load %arg9[%swap3A_264, %swap3A_265] {strides = array<i32>} : memref<32x128xf32, #tpu.memory_space<vmem>>, vector<16xf32>,
        tpu.vector_store %arg9[%swap3A_264, %swap3A_265], %gather3A_231 {strides = array<i32>} : memref<32x128xf32, #tpu.memory_space<vmem>>, vector<16xf32>,
        %mul3A_267 = arith.constant 16 : i32
        %mul3A_268 = arith.muli %scan3A_217, %mul3A_267 : i32
        %swap3A_269 = arith.constant 4 : i32
        %swap3A_270 = arith.index_cast %swap3A_269 : i32 to index
        %swap3A_271 = arith.index_cast %mul3A_268 : i32 to index
        %swap3A_272 = tpu.vector_load %arg9[%swap3A_270, %swap3A_271] {strides = array<i32>} : memref<32x128xf32, #tpu.memory_space<vmem>>, vector<16xf32>,
        tpu.vector_store %arg9[%swap3A_270, %swap3A_271], %gather3A_234 {strides = array<i32>} : memref<32x128xf32, #tpu.memory_space<vmem>>, vector<16xf32>,
        %mul3A_273 = arith.constant 16 : i32
        %mul3A_274 = arith.muli %scan3A_217, %mul3A_273 : i32
        %swap3A_275 = arith.constant 5 : i32
        %swap3A_276 = arith.index_cast %swap3A_275 : i32 to index
        %swap3A_277 = arith.index_cast %mul3A_274 : i32 to index
        %swap3A_278 = tpu.vector_load %arg9[%swap3A_276, %swap3A_277] {strides = array<i32>} : memref<32x128xf32, #tpu.memory_space<vmem>>, vector<16xf32>,
        tpu.vector_store %arg9[%swap3A_276, %swap3A_277], %gather3A_237 {strides = array<i32>} : memref<32x128xf32, #tpu.memory_space<vmem>>, vector<16xf32>,
        %mul3A_279 = arith.constant 16 : i32
        %mul3A_280 = arith.muli %scan3A_217, %mul3A_279 : i32
        %swap3A_281 = arith.constant 6 : i32
        %swap3A_282 = arith.index_cast %swap3A_281 : i32 to index
        %swap3A_283 = arith.index_cast %mul3A_280 : i32 to index
        %swap3A_284 = tpu.vector_load %arg9[%swap3A_282, %swap3A_283] {strides = array<i32>} : memref<32x128xf32, #tpu.memory_space<vmem>>, vector<16xf32>,
        tpu.vector_store %arg9[%swap3A_282, %swap3A_283], %gather3A_240 {strides = array<i32>} : memref<32x128xf32, #tpu.memory_space<vmem>>, vector<16xf32>,
        %mul3A_285 = arith.constant 16 : i32
        %mul3A_286 = arith.muli %scan3A_217, %mul3A_285 : i32
        %swap3A_287 = arith.constant 7 : i32
        %swap3A_288 = arith.index_cast %swap3A_287 : i32 to index
        %swap3A_289 = arith.index_cast %mul3A_286 : i32 to index
        %swap3A_290 = tpu.vector_load %arg9[%swap3A_288, %swap3A_289] {strides = array<i32>} : memref<32x128xf32, #tpu.memory_space<vmem>>, vector<16xf32>,
        tpu.vector_store %arg9[%swap3A_288, %swap3A_289], %gather3A_243 {strides = array<i32>} : memref<32x128xf32, #tpu.memory_space<vmem>>, vector<16xf32>,
        %broadcast_in_dim3A_291 = arith.constant 8 : i32
        %broadcast_in_dim3A_292 = vector.broadcast %broadcast_in_dim3A_291 : i32 to vector<16xi32>
        %gather3A_293 = tpu.vector_load_idx %arg7[%add3A_221, %broadcast_in_dim3A_292] : memref<128x32xf32, #tpu.memory_space<vmem>>[vector<16xi32>, vector<16xi32>], vector<16xf32>,
        %broadcast_in_dim3A_294 = arith.constant 9 : i32
        %broadcast_in_dim3A_295 = vector.broadcast %broadcast_in_dim3A_294 : i32 to vector<16xi32>
        %gather3A_296 = tpu.vector_load_idx %arg7[%add3A_221, %broadcast_in_dim3A_295] : memref<128x32xf32, #tpu.memory_space<vmem>>[vector<16xi32>, vector<16xi32>], vector<16xf32>,
        %broadcast_in_dim3A_297 = arith.constant 10 : i32
        %broadcast_in_dim3A_298 = vector.broadcast %broadcast_in_dim3A_297 : i32 to vector<16xi32>
        %gather3A_299 = tpu.vector_load_idx %arg7[%add3A_221, %broadcast_in_dim3A_298] : memref<128x32xf32, #tpu.memory_space<vmem>>[vector<16xi32>, vector<16xi32>], vector<16xf32>,
        %broadcast_in_dim3A_300 = arith.constant 11 : i32
        %broadcast_in_dim3A_301 = vector.broadcast %broadcast_in_dim3A_300 : i32 to vector<16xi32>
        %gather3A_302 = tpu.vector_load_idx %arg7[%add3A_221, %broadcast_in_dim3A_301] : memref<128x32xf32, #tpu.memory_space<vmem>>[vector<16xi32>, vector<16xi32>], vector<16xf32>,
        %broadcast_in_dim3A_303 = arith.constant 12 : i32
        %broadcast_in_dim3A_304 = vector.broadcast %broadcast_in_dim3A_303 : i32 to vector<16xi32>
        %gather3A_305 = tpu.vector_load_idx %arg7[%add3A_221, %broadcast_in_dim3A_304] : memref<128x32xf32, #tpu.memory_space<vmem>>[vector<16xi32>, vector<16xi32>], vector<16xf32>,
        %broadcast_in_dim3A_306 = arith.constant 13 : i32
        %broadcast_in_dim3A_307 = vector.broadcast %broadcast_in_dim3A_306 : i32 to vector<16xi32>
        %gather3A_308 = tpu.vector_load_idx %arg7[%add3A_221, %broadcast_in_dim3A_307] : memref<128x32xf32, #tpu.memory_space<vmem>>[vector<16xi32>, vector<16xi32>], vector<16xf32>,
        %broadcast_in_dim3A_309 = arith.constant 14 : i32
        %broadcast_in_dim3A_310 = vector.broadcast %broadcast_in_dim3A_309 : i32 to vector<16xi32>
        %gather3A_311 = tpu.vector_load_idx %arg7[%add3A_221, %broadcast_in_dim3A_310] : memref<128x32xf32, #tpu.memory_space<vmem>>[vector<16xi32>, vector<16xi32>], vector<16xf32>,
        %broadcast_in_dim3A_312 = arith.constant 15 : i32
        %broadcast_in_dim3A_313 = vector.broadcast %broadcast_in_dim3A_312 : i32 to vector<16xi32>
        %gather3A_314 = tpu.vector_load_idx %arg7[%add3A_221, %broadcast_in_dim3A_313] : memref<128x32xf32, #tpu.memory_space<vmem>>[vector<16xi32>, vector<16xi32>], vector<16xf32>,
        %mul3A_315 = arith.constant 16 : i32
        %mul3A_316 = arith.muli %scan3A_217, %mul3A_315 : i32
        %swap3A_317 = arith.constant 8 : i32
        %swap3A_318 = arith.index_cast %swap3A_317 : i32 to index
        %swap3A_319 = arith.index_cast %mul3A_316 : i32 to index
        %swap3A_320 = tpu.vector_load %arg9[%swap3A_318, %swap3A_319] {strides = array<i32>} : memref<32x128xf32, #tpu.memory_space<vmem>>, vector<16xf32>,
        tpu.vector_store %arg9[%swap3A_318, %swap3A_319], %gather3A_293 {strides = array<i32>} : memref<32x128xf32, #tpu.memory_space<vmem>>, vector<16xf32>,
        %mul3A_321 = arith.constant 16 : i32
        %mul3A_322 = arith.muli %scan3A_217, %mul3A_321 : i32
        %swap3A_323 = arith.constant 9 : i32
        %swap3A_324 = arith.index_cast %swap3A_323 : i32 to index
        %swap3A_325 = arith.index_cast %mul3A_322 : i32 to index
        %swap3A_326 = tpu.vector_load %arg9[%swap3A_324, %swap3A_325] {strides = array<i32>} : memref<32x128xf32, #tpu.memory_space<vmem>>, vector<16xf32>,
        tpu.vector_store %arg9[%swap3A_324, %swap3A_325], %gather3A_296 {strides = array<i32>} : memref<32x128xf32, #tpu.memory_space<vmem>>, vector<16xf32>,
        %mul3A_327 = arith.constant 16 : i32
        %mul3A_328 = arith.muli %scan3A_217, %mul3A_327 : i32
        %swap3A_329 = arith.constant 10 : i32
        %swap3A_330 = arith.index_cast %swap3A_329 : i32 to index
        %swap3A_331 = arith.index_cast %mul3A_328 : i32 to index
        %swap3A_332 = tpu.vector_load %arg9[%swap3A_330, %swap3A_331] {strides = array<i32>} : memref<32x128xf32, #tpu.memory_space<vmem>>, vector<16xf32>,
        tpu.vector_store %arg9[%swap3A_330, %swap3A_331], %gather3A_299 {strides = array<i32>} : memref<32x128xf32, #tpu.memory_space<vmem>>, vector<16xf32>,
        %mul3A_333 = arith.constant 16 : i32
        %mul3A_334 = arith.muli %scan3A_217, %mul3A_333 : i32
        %swap3A_335 = arith.constant 11 : i32
        %swap3A_336 = arith.index_cast %swap3A_335 : i32 to index
        %swap3A_337 = arith.index_cast %mul3A_334 : i32 to index
        %swap3A_338 = tpu.vector_load %arg9[%swap3A_336, %swap3A_337] {strides = array<i32>} : memref<32x128xf32, #tpu.memory_space<vmem>>, vector<16xf32>,
        tpu.vector_store %arg9[%swap3A_336, %swap3A_337], %gather3A_302 {strides = array<i32>} : memref<32x128xf32, #tpu.memory_space<vmem>>, vector<16xf32>,
        %mul3A_339 = arith.constant 16 : i32
        %mul3A_340 = arith.muli %scan3A_217, %mul3A_339 : i32
        %swap3A_341 = arith.constant 12 : i32
        %swap3A_342 = arith.index_cast %swap3A_341 : i32 to index
        %swap3A_343 = arith.index_cast %mul3A_340 : i32 to index
        %swap3A_344 = tpu.vector_load %arg9[%swap3A_342, %swap3A_343] {strides = array<i32>} : memref<32x128xf32, #tpu.memory_space<vmem>>, vector<16xf32>,
        tpu.vector_store %arg9[%swap3A_342, %swap3A_343], %gather3A_305 {strides = array<i32>} : memref<32x128xf32, #tpu.memory_space<vmem>>, vector<16xf32>,
        %mul3A_345 = arith.constant 16 : i32
        %mul3A_346 = arith.muli %scan3A_217, %mul3A_345 : i32
        %swap3A_347 = arith.constant 13 : i32
        %swap3A_348 = arith.index_cast %swap3A_347 : i32 to index
        %swap3A_349 = arith.index_cast %mul3A_346 : i32 to index
        %swap3A_350 = tpu.vector_load %arg9[%swap3A_348, %swap3A_349] {strides = array<i32>} : memref<32x128xf32, #tpu.memory_space<vmem>>, vector<16xf32>,
        tpu.vector_store %arg9[%swap3A_348, %swap3A_349], %gather3A_308 {strides = array<i32>} : memref<32x128xf32, #tpu.memory_space<vmem>>, vector<16xf32>,
        %mul3A_351 = arith.constant 16 : i32
        %mul3A_352 = arith.muli %scan3A_217, %mul3A_351 : i32
        %swap3A_353 = arith.constant 14 : i32
        %swap3A_354 = arith.index_cast %swap3A_353 : i32 to index
        %swap3A_355 = arith.index_cast %mul3A_352 : i32 to index
        %swap3A_356 = tpu.vector_load %arg9[%swap3A_354, %swap3A_355] {strides = array<i32>} : memref<32x128xf32, #tpu.memory_space<vmem>>, vector<16xf32>,
        tpu.vector_store %arg9[%swap3A_354, %swap3A_355], %gather3A_311 {strides = array<i32>} : memref<32x128xf32, #tpu.memory_space<vmem>>, vector<16xf32>,
        %mul3A_357 = arith.constant 16 : i32
        %mul3A_358 = arith.muli %scan3A_217, %mul3A_357 : i32
        %swap3A_359 = arith.constant 15 : i32
        %swap3A_360 = arith.index_cast %swap3A_359 : i32 to index
        %swap3A_361 = arith.index_cast %mul3A_358 : i32 to index
        %swap3A_362 = tpu.vector_load %arg9[%swap3A_360, %swap3A_361] {strides = array<i32>} : memref<32x128xf32, #tpu.memory_space<vmem>>, vector<16xf32>,
        tpu.vector_store %arg9[%swap3A_360, %swap3A_361], %gather3A_314 {strides = array<i32>} : memref<32x128xf32, #tpu.memory_space<vmem>>, vector<16xf32>,
        %broadcast_in_dim3A_363 = arith.constant 16 : i32
        %broadcast_in_dim3A_364 = vector.broadcast %broadcast_in_dim3A_363 : i32 to vector<16xi32>
        %gather3A_365 = tpu.vector_load_idx %arg7[%add3A_221, %broadcast_in_dim3A_364] : memref<128x32xf32, #tpu.memory_space<vmem>>[vector<16xi32>, vector<16xi32>], vector<16xf32>,
        %broadcast_in_dim3A_366 = arith.constant 17 : i32
        %broadcast_in_dim3A_367 = vector.broadcast %broadcast_in_dim3A_366 : i32 to vector<16xi32>
        %gather3A_368 = tpu.vector_load_idx %arg7[%add3A_221, %broadcast_in_dim3A_367] : memref<128x32xf32, #tpu.memory_space<vmem>>[vector<16xi32>, vector<16xi32>], vector<16xf32>,
        %broadcast_in_dim3A_369 = arith.constant 18 : i32
        %broadcast_in_dim3A_370 = vector.broadcast %broadcast_in_dim3A_369 : i32 to vector<16xi32>
        %gather3A_371 = tpu.vector_load_idx %arg7[%add3A_221, %broadcast_in_dim3A_370] : memref<128x32xf32, #tpu.memory_space<vmem>>[vector<16xi32>, vector<16xi32>], vector<16xf32>,
        %broadcast_in_dim3A_372 = arith.constant 19 : i32
        %broadcast_in_dim3A_373 = vector.broadcast %broadcast_in_dim3A_372 : i32 to vector<16xi32>
        %gather3A_374 = tpu.vector_load_idx %arg7[%add3A_221, %broadcast_in_dim3A_373] : memref<128x32xf32, #tpu.memory_space<vmem>>[vector<16xi32>, vector<16xi32>], vector<16xf32>,
        %broadcast_in_dim3A_375 = arith.constant 20 : i32
        %broadcast_in_dim3A_376 = vector.broadcast %broadcast_in_dim3A_375 : i32 to vector<16xi32>
        %gather3A_377 = tpu.vector_load_idx %arg7[%add3A_221, %broadcast_in_dim3A_376] : memref<128x32xf32, #tpu.memory_space<vmem>>[vector<16xi32>, vector<16xi32>], vector<16xf32>,
        %broadcast_in_dim3A_378 = arith.constant 21 : i32
        %broadcast_in_dim3A_379 = vector.broadcast %broadcast_in_dim3A_378 : i32 to vector<16xi32>
        %gather3A_380 = tpu.vector_load_idx %arg7[%add3A_221, %broadcast_in_dim3A_379] : memref<128x32xf32, #tpu.memory_space<vmem>>[vector<16xi32>, vector<16xi32>], vector<16xf32>,
        %broadcast_in_dim3A_381 = arith.constant 22 : i32
        %broadcast_in_dim3A_382 = vector.broadcast %broadcast_in_dim3A_381 : i32 to vector<16xi32>
        %gather3A_383 = tpu.vector_load_idx %arg7[%add3A_221, %broadcast_in_dim3A_382] : memref<128x32xf32, #tpu.memory_space<vmem>>[vector<16xi32>, vector<16xi32>], vector<16xf32>,
        %broadcast_in_dim3A_384 = arith.constant 23 : i32
        %broadcast_in_dim3A_385 = vector.broadcast %broadcast_in_dim3A_384 : i32 to vector<16xi32>
        %gather3A_386 = tpu.vector_load_idx %arg7[%add3A_221, %broadcast_in_dim3A_385] : memref<128x32xf32, #tpu.memory_space<vmem>>[vector<16xi32>, vector<16xi32>], vector<16xf32>,
        %mul3A_387 = arith.constant 16 : i32
        %mul3A_388 = arith.muli %scan3A_217, %mul3A_387 : i32
        %swap3A_389 = arith.constant 16 : i32
        %swap3A_390 = arith.index_cast %swap3A_389 : i32 to index
        %swap3A_391 = arith.index_cast %mul3A_388 : i32 to index
        %swap3A_392 = tpu.vector_load %arg9[%swap3A_390, %swap3A_391] {strides = array<i32>} : memref<32x128xf32, #tpu.memory_space<vmem>>, vector<16xf32>,
        tpu.vector_store %arg9[%swap3A_390, %swap3A_391], %gather3A_365 {strides = array<i32>} : memref<32x128xf32, #tpu.memory_space<vmem>>, vector<16xf32>,
        %mul3A_393 = arith.constant 16 : i32
        %mul3A_394 = arith.muli %scan3A_217, %mul3A_393 : i32
        %swap3A_395 = arith.constant 17 : i32
        %swap3A_396 = arith.index_cast %swap3A_395 : i32 to index
        %swap3A_397 = arith.index_cast %mul3A_394 : i32 to index
        %swap3A_398 = tpu.vector_load %arg9[%swap3A_396, %swap3A_397] {strides = array<i32>} : memref<32x128xf32, #tpu.memory_space<vmem>>, vector<16xf32>,
        tpu.vector_store %arg9[%swap3A_396, %swap3A_397], %gather3A_368 {strides = array<i32>} : memref<32x128xf32, #tpu.memory_space<vmem>>, vector<16xf32>,
        %mul3A_399 = arith.constant 16 : i32
        %mul3A_400 = arith.muli %scan3A_217, %mul3A_399 : i32
        %swap3A_401 = arith.constant 18 : i32
        %swap3A_402 = arith.index_cast %swap3A_401 : i32 to index
        %swap3A_403 = arith.index_cast %mul3A_400 : i32 to index
        %swap3A_404 = tpu.vector_load %arg9[%swap3A_402, %swap3A_403] {strides = array<i32>} : memref<32x128xf32, #tpu.memory_space<vmem>>, vector<16xf32>,
        tpu.vector_store %arg9[%swap3A_402, %swap3A_403], %gather3A_371 {strides = array<i32>} : memref<32x128xf32, #tpu.memory_space<vmem>>, vector<16xf32>,
        %mul3A_405 = arith.constant 16 : i32
        %mul3A_406 = arith.muli %scan3A_217, %mul3A_405 : i32
        %swap3A_407 = arith.constant 19 : i32
        %swap3A_408 = arith.index_cast %swap3A_407 : i32 to index
        %swap3A_409 = arith.index_cast %mul3A_406 : i32 to index
        %swap3A_410 = tpu.vector_load %arg9[%swap3A_408, %swap3A_409] {strides = array<i32>} : memref<32x128xf32, #tpu.memory_space<vmem>>, vector<16xf32>,
        tpu.vector_store %arg9[%swap3A_408, %swap3A_409], %gather3A_374 {strides = array<i32>} : memref<32x128xf32, #tpu.memory_space<vmem>>, vector<16xf32>,
        %mul3A_411 = arith.constant 16 : i32
        %mul3A_412 = arith.muli %scan3A_217, %mul3A_411 : i32
        %swap3A_413 = arith.constant 20 : i32
        %swap3A_414 = arith.index_cast %swap3A_413 : i32 to index
        %swap3A_415 = arith.index_cast %mul3A_412 : i32 to index
        %swap3A_416 = tpu.vector_load %arg9[%swap3A_414, %swap3A_415] {strides = array<i32>} : memref<32x128xf32, #tpu.memory_space<vmem>>, vector<16xf32>,
        tpu.vector_store %arg9[%swap3A_414, %swap3A_415], %gather3A_377 {strides = array<i32>} : memref<32x128xf32, #tpu.memory_space<vmem>>, vector<16xf32>,
        %mul3A_417 = arith.constant 16 : i32
        %mul3A_418 = arith.muli %scan3A_217, %mul3A_417 : i32
        %swap3A_419 = arith.constant 21 : i32
        %swap3A_420 = arith.index_cast %swap3A_419 : i32 to index
        %swap3A_421 = arith.index_cast %mul3A_418 : i32 to index
        %swap3A_422 = tpu.vector_load %arg9[%swap3A_420, %swap3A_421] {strides = array<i32>} : memref<32x128xf32, #tpu.memory_space<vmem>>, vector<16xf32>,
        tpu.vector_store %arg9[%swap3A_420, %swap3A_421], %gather3A_380 {strides = array<i32>} : memref<32x128xf32, #tpu.memory_space<vmem>>, vector<16xf32>,
        %mul3A_423 = arith.constant 16 : i32
        %mul3A_424 = arith.muli %scan3A_217, %mul3A_423 : i32
        %swap3A_425 = arith.constant 22 : i32
        %swap3A_426 = arith.index_cast %swap3A_425 : i32 to index
        %swap3A_427 = arith.index_cast %mul3A_424 : i32 to index
        %swap3A_428 = tpu.vector_load %arg9[%swap3A_426, %swap3A_427] {strides = array<i32>} : memref<32x128xf32, #tpu.memory_space<vmem>>, vector<16xf32>,
        tpu.vector_store %arg9[%swap3A_426, %swap3A_427], %gather3A_383 {strides = array<i32>} : memref<32x128xf32, #tpu.memory_space<vmem>>, vector<16xf32>,
        %mul3A_429 = arith.constant 16 : i32
        %mul3A_430 = arith.muli %scan3A_217, %mul3A_429 : i32
        %swap3A_431 = arith.constant 23 : i32
        %swap3A_432 = arith.index_cast %swap3A_431 : i32 to index
        %swap3A_433 = arith.index_cast %mul3A_430 : i32 to index
        %swap3A_434 = tpu.vector_load %arg9[%swap3A_432, %swap3A_433] {strides = array<i32>} : memref<32x128xf32, #tpu.memory_space<vmem>>, vector<16xf32>,
        tpu.vector_store %arg9[%swap3A_432, %swap3A_433], %gather3A_386 {strides = array<i32>} : memref<32x128xf32, #tpu.memory_space<vmem>>, vector<16xf32>,
        %broadcast_in_dim3A_435 = arith.constant 24 : i32
        %broadcast_in_dim3A_436 = vector.broadcast %broadcast_in_dim3A_435 : i32 to vector<16xi32>
        %gather3A_437 = tpu.vector_load_idx %arg7[%add3A_221, %broadcast_in_dim3A_436] : memref<128x32xf32, #tpu.memory_space<vmem>>[vector<16xi32>, vector<16xi32>], vector<16xf32>,
        %broadcast_in_dim3A_438 = arith.constant 25 : i32
        %broadcast_in_dim3A_439 = vector.broadcast %broadcast_in_dim3A_438 : i32 to vector<16xi32>
        %gather3A_440 = tpu.vector_load_idx %arg7[%add3A_221, %broadcast_in_dim3A_439] : memref<128x32xf32, #tpu.memory_space<vmem>>[vector<16xi32>, vector<16xi32>], vector<16xf32>,
        %broadcast_in_dim3A_441 = arith.constant 26 : i32
        %broadcast_in_dim3A_442 = vector.broadcast %broadcast_in_dim3A_441 : i32 to vector<16xi32>
        %gather3A_443 = tpu.vector_load_idx %arg7[%add3A_221, %broadcast_in_dim3A_442] : memref<128x32xf32, #tpu.memory_space<vmem>>[vector<16xi32>, vector<16xi32>], vector<16xf32>,
        %broadcast_in_dim3A_444 = arith.constant 27 : i32
        %broadcast_in_dim3A_445 = vector.broadcast %broadcast_in_dim3A_444 : i32 to vector<16xi32>
        %gather3A_446 = tpu.vector_load_idx %arg7[%add3A_221, %broadcast_in_dim3A_445] : memref<128x32xf32, #tpu.memory_space<vmem>>[vector<16xi32>, vector<16xi32>], vector<16xf32>,
        %broadcast_in_dim3A_447 = arith.constant 28 : i32
        %broadcast_in_dim3A_448 = vector.broadcast %broadcast_in_dim3A_447 : i32 to vector<16xi32>
        %gather3A_449 = tpu.vector_load_idx %arg7[%add3A_221, %broadcast_in_dim3A_448] : memref<128x32xf32, #tpu.memory_space<vmem>>[vector<16xi32>, vector<16xi32>], vector<16xf32>,
        %broadcast_in_dim3A_450 = arith.constant 29 : i32
        %broadcast_in_dim3A_451 = vector.broadcast %broadcast_in_dim3A_450 : i32 to vector<16xi32>
        %gather3A_452 = tpu.vector_load_idx %arg7[%add3A_221, %broadcast_in_dim3A_451] : memref<128x32xf32, #tpu.memory_space<vmem>>[vector<16xi32>, vector<16xi32>], vector<16xf32>,
        %broadcast_in_dim3A_453 = arith.constant 30 : i32
        %broadcast_in_dim3A_454 = vector.broadcast %broadcast_in_dim3A_453 : i32 to vector<16xi32>
        %gather3A_455 = tpu.vector_load_idx %arg7[%add3A_221, %broadcast_in_dim3A_454] : memref<128x32xf32, #tpu.memory_space<vmem>>[vector<16xi32>, vector<16xi32>], vector<16xf32>,
        %broadcast_in_dim3A_456 = arith.constant 31 : i32
        %broadcast_in_dim3A_457 = vector.broadcast %broadcast_in_dim3A_456 : i32 to vector<16xi32>
        %gather3A_458 = tpu.vector_load_idx %arg7[%add3A_221, %broadcast_in_dim3A_457] : memref<128x32xf32, #tpu.memory_space<vmem>>[vector<16xi32>, vector<16xi32>], vector<16xf32>,
        %mul3A_459 = arith.constant 16 : i32
        %mul3A_460 = arith.muli %scan3A_217, %mul3A_459 : i32
        %swap3A_461 = arith.constant 24 : i32
        %swap3A_462 = arith.index_cast %swap3A_461 : i32 to index
        %swap3A_463 = arith.index_cast %mul3A_460 : i32 to index
        %swap3A_464 = tpu.vector_load %arg9[%swap3A_462, %swap3A_463] {strides = array<i32>} : memref<32x128xf32, #tpu.memory_space<vmem>>, vector<16xf32>,
        tpu.vector_store %arg9[%swap3A_462, %swap3A_463], %gather3A_437 {strides = array<i32>} : memref<32x128xf32, #tpu.memory_space<vmem>>, vector<16xf32>,
        %mul3A_465 = arith.constant 16 : i32
        %mul3A_466 = arith.muli %scan3A_217, %mul3A_465 : i32
        %swap3A_467 = arith.constant 25 : i32
        %swap3A_468 = arith.index_cast %swap3A_467 : i32 to index
        %swap3A_469 = arith.index_cast %mul3A_466 : i32 to index
        %swap3A_470 = tpu.vector_load %arg9[%swap3A_468, %swap3A_469] {strides = array<i32>} : memref<32x128xf32, #tpu.memory_space<vmem>>, vector<16xf32>,
        tpu.vector_store %arg9[%swap3A_468, %swap3A_469], %gather3A_440 {strides = array<i32>} : memref<32x128xf32, #tpu.memory_space<vmem>>, vector<16xf32>,
        %mul3A_471 = arith.constant 16 : i32
        %mul3A_472 = arith.muli %scan3A_217, %mul3A_471 : i32
        %swap3A_473 = arith.constant 26 : i32
        %swap3A_474 = arith.index_cast %swap3A_473 : i32 to index
        %swap3A_475 = arith.index_cast %mul3A_472 : i32 to index
        %swap3A_476 = tpu.vector_load %arg9[%swap3A_474, %swap3A_475] {strides = array<i32>} : memref<32x128xf32, #tpu.memory_space<vmem>>, vector<16xf32>,
        tpu.vector_store %arg9[%swap3A_474, %swap3A_475], %gather3A_443 {strides = array<i32>} : memref<32x128xf32, #tpu.memory_space<vmem>>, vector<16xf32>,
        %mul3A_477 = arith.constant 16 : i32
        %mul3A_478 = arith.muli %scan3A_217, %mul3A_477 : i32
        %swap3A_479 = arith.constant 27 : i32
        %swap3A_480 = arith.index_cast %swap3A_479 : i32 to index
        %swap3A_481 = arith.index_cast %mul3A_478 : i32 to index
        %swap3A_482 = tpu.vector_load %arg9[%swap3A_480, %swap3A_481] {strides = array<i32>} : memref<32x128xf32, #tpu.memory_space<vmem>>, vector<16xf32>,
        tpu.vector_store %arg9[%swap3A_480, %swap3A_481], %gather3A_446 {strides = array<i32>} : memref<32x128xf32, #tpu.memory_space<vmem>>, vector<16xf32>,
        %mul3A_483 = arith.constant 16 : i32
        %mul3A_484 = arith.muli %scan3A_217, %mul3A_483 : i32
        %swap3A_485 = arith.constant 28 : i32
        %swap3A_486 = arith.index_cast %swap3A_485 : i32 to index
        %swap3A_487 = arith.index_cast %mul3A_484 : i32 to index
        %swap3A_488 = tpu.vector_load %arg9[%swap3A_486, %swap3A_487] {strides = array<i32>} : memref<32x128xf32, #tpu.memory_space<vmem>>, vector<16xf32>,
        tpu.vector_store %arg9[%swap3A_486, %swap3A_487], %gather3A_449 {strides = array<i32>} : memref<32x128xf32, #tpu.memory_space<vmem>>, vector<16xf32>,
        %mul3A_489 = arith.constant 16 : i32
        %mul3A_490 = arith.muli %scan3A_217, %mul3A_489 : i32
        %swap3A_491 = arith.constant 29 : i32
        %swap3A_492 = arith.index_cast %swap3A_491 : i32 to index
        %swap3A_493 = arith.index_cast %mul3A_490 : i32 to index
        %swap3A_494 = tpu.vector_load %arg9[%swap3A_492, %swap3A_493] {strides = array<i32>} : memref<32x128xf32, #tpu.memory_space<vmem>>, vector<16xf32>,
        tpu.vector_store %arg9[%swap3A_492, %swap3A_493], %gather3A_452 {strides = array<i32>} : memref<32x128xf32, #tpu.memory_space<vmem>>, vector<16xf32>,
        %mul3A_495 = arith.constant 16 : i32
        %mul3A_496 = arith.muli %scan3A_217, %mul3A_495 : i32
        %swap3A_497 = arith.constant 30 : i32
        %swap3A_498 = arith.index_cast %swap3A_497 : i32 to index
        %swap3A_499 = arith.index_cast %mul3A_496 : i32 to index
        %swap3A_500 = tpu.vector_load %arg9[%swap3A_498, %swap3A_499] {strides = array<i32>} : memref<32x128xf32, #tpu.memory_space<vmem>>, vector<16xf32>,
        tpu.vector_store %arg9[%swap3A_498, %swap3A_499], %gather3A_455 {strides = array<i32>} : memref<32x128xf32, #tpu.memory_space<vmem>>, vector<16xf32>,
        %mul3A_501 = arith.constant 16 : i32
        %mul3A_502 = arith.muli %scan3A_217, %mul3A_501 : i32
        %swap3A_503 = arith.constant 31 : i32
        %swap3A_504 = arith.index_cast %swap3A_503 : i32 to index
        %swap3A_505 = arith.index_cast %mul3A_502 : i32 to index
        %swap3A_506 = tpu.vector_load %arg9[%swap3A_504, %swap3A_505] {strides = array<i32>} : memref<32x128xf32, #tpu.memory_space<vmem>>, vector<16xf32>,
        tpu.vector_store %arg9[%swap3A_504, %swap3A_505], %gather3A_458 {strides = array<i32>} : memref<32x128xf32, #tpu.memory_space<vmem>>, vector<16xf32>,
      }
      %scan3A_82 = arith.constant 8 : i32
      %ge3A = arith.constant 1 : i32
      %ge3A_83 = arith.cmpi sge, %scan3A_61, %ge3A : i32
      %convert_element_type3A_84 = arith.extui %ge3A_83 : i1 to i32
      %cond3A_85 = arith.constant 0 : i32
      %cond3A_86 = arith.cmpi ne, %convert_element_type3A_84, %cond3A_85 : i32
      scf.if %cond3A_86 {
        %dma_wait3A_217 = arith.constant 0 : i32
        %dma_wait3A_218 = arith.constant 0 : i32
        %dma_wait3A_219 = arith.constant 0 : i32
        %dma_wait3A_220 = tpu.memref_slice %arg4[%dma_wait3A_217, %dma_wait3A_218, %dma_wait3A_219] : memref<26x32x4096xf32, #tpu.memory_space<hbm>> -> memref<1x32x128xf32, #tpu.memory_space<hbm>>
        %dma_wait3A_221 = tpu.memref_squeeze %dma_wait3A_220 : memref<1x32x128xf32, #tpu.memory_space<hbm>> -> memref<32x128xf32, #tpu.memory_space<hbm>>
        %dma_wait3A_222 = arith.constant 0 : i32
        %dma_wait3A_223 = arith.constant 0 : i32
        %dma_wait3A_224 = tpu.memref_slice %arg4[%dma_wait3A_217, %dma_wait3A_222, %dma_wait3A_223] : memref<26x32x4096xf32, #tpu.memory_space<hbm>> -> memref<1x32x128xf32, #tpu.memory_space<hbm>>
        %dma_wait3A_225 = tpu.memref_squeeze %dma_wait3A_224 : memref<1x32x128xf32, #tpu.memory_space<hbm>> -> memref<32x128xf32, #tpu.memory_space<hbm>>
        tpu.wait_dma2 semaphore(%arg13 : memref<!tpu.dma_semaphore, #tpu.memory_space<semaphore_mem>>) src(%arg9 : memref<32x128xf32, #tpu.memory_space<vmem>>) dst(%dma_wait3A_225 : memref<32x128xf32, #tpu.memory_space<hbm>>)
      } else {
      }
      %mul3A_87 = arith.constant 26 : i32
      %mul3A_88 = arith.muli %add3A, %mul3A_87 : i32
      %add3A_89 = arith.addi %mul3A_88, %add3A_65 : i32
      %jit3A_90 = arith.constant 32 : i32
      %div3A_91 = arith.divsi %add3A_89, %jit3A_90 : i32
      %sign3A_92 = arith.constant 0 : i32
      %sign3A_93 = arith.cmpi sgt, %add3A_89, %sign3A_92 : i32
      %sign3A_94 = arith.extui %sign3A_93 : i1 to i32
      %sign3A_95 = arith.constant 0 : i32
      %sign3A_96 = arith.cmpi slt, %add3A_89, %sign3A_95 : i32
      %sign3A_97 = arith.extui %sign3A_96 : i1 to i32
      %sign3A_98 = arith.subi %sign3A_94, %sign3A_97 : i32
      %sign3A_99 = arith.constant 0 : i32
      %sign3A_100 = arith.cmpi sgt, %jit3A_90, %sign3A_99 : i32
      %sign3A_101 = arith.extui %sign3A_100 : i1 to i32
      %sign3A_102 = arith.constant 0 : i32
      %sign3A_103 = arith.cmpi slt, %jit3A_90, %sign3A_102 : i32
      %sign3A_104 = arith.extui %sign3A_103 : i1 to i32
      %sign3A_105 = arith.subi %sign3A_101, %sign3A_104 : i32
      %ne3A_106 = arith.cmpi ne, %sign3A_98, %sign3A_105 : i32
      %rem3A_107 = arith.remsi %add3A_89, %jit3A_90 : i32
      %ne3A_108 = arith.constant 0 : i32
      %ne3A_109 = arith.cmpi ne, %rem3A_107, %ne3A_108 : i32
      %and3A_110 = arith.andi %ne3A_106, %ne3A_109 : i1
      %sub3A_111 = arith.constant 1 : i32
      %sub3A_112 = arith.subi %div3A_91, %sub3A_111 : i32
      %select_n3A_113 = arith.select %and3A_110, %sub3A_112, %div3A_91 : i32
      %jit3A_114 = arith.constant 32 : i32
      %eq3A_115 = arith.constant 0 : i32
      %eq3A_116 = arith.cmpi eq, %jit3A_114, %eq3A_115 : i32
      %jit3A_117 = arith.constant 1 : i32
      %select_n3A_118 = arith.select %eq3A_116, %jit3A_117, %jit3A_114 : i32
      %rem3A_119 = arith.remsi %add3A_89, %select_n3A_118 : i32
      %ne3A_120 = arith.constant 0 : i32
      %ne3A_121 = arith.cmpi ne, %rem3A_119, %ne3A_120 : i32
      %lt3A_122 = arith.constant 0 : i32
      %lt3A_123 = arith.cmpi slt, %rem3A_119, %lt3A_122 : i32
      %lt3A_124 = arith.constant 0 : i32
      %lt3A_125 = arith.cmpi slt, %select_n3A_118, %lt3A_124 : i32
      %ne3A_126 = arith.xori %lt3A_123, %lt3A_125 : i1
      %and3A_127 = arith.andi %ne3A_126, %ne3A_121 : i1
      %add3A_128 = arith.addi %rem3A_119, %select_n3A_118 : i32
      %select_n3A_129 = arith.select %and3A_127, %add3A_128, %rem3A_119 : i32
      %mul3A_130 = arith.constant 128 : i32
      %mul3A_131 = arith.muli %select_n3A_129, %mul3A_130 : i32
      %dma_start3A_132 = arith.constant 0 : i32
      %dma_start3A_133 = tpu.memref_slice %arg4[%select_n3A_113, %dma_start3A_132, %mul3A_131] : memref<26x32x4096xf32, #tpu.memory_space<hbm>> -> memref<1x32x128xf32, #tpu.memory_space<hbm>>
      %dma_start3A_134 = tpu.memref_squeeze %dma_start3A_133 : memref<1x32x128xf32, #tpu.memory_space<hbm>> -> memref<32x128xf32, #tpu.memory_space<hbm>>
      %dma_start3A_135 = arith.constant 0 : i32
      %dma_start3A_136 = tpu.memref_slice %arg4[%select_n3A_113, %dma_start3A_135, %mul3A_131] : memref<26x32x4096xf32, #tpu.memory_space<hbm>> -> memref<1x32x128xf32, #tpu.memory_space<hbm>>
      %dma_start3A_137 = tpu.memref_squeeze %dma_start3A_136 : memref<1x32x128xf32, #tpu.memory_space<hbm>> -> memref<32x128xf32, #tpu.memory_space<hbm>>
      tpu.enqueue_dma source(%arg9 : memref<32x128xf32, #tpu.memory_space<vmem>>) target(%dma_start3A_137 : memref<32x128xf32, #tpu.memory_space<hbm>>) target_semaphore(%arg13 : memref<!tpu.dma_semaphore, #tpu.memory_space<semaphore_mem>>)
      %mul3A_138 = arith.constant 2 : i32
      %mul3A_139 = arith.muli %mul3A_138, %scan3A_61 : i32
      %add3A_140 = arith.constant 1 : i32
      %add3A_141 = arith.addi %mul3A_139, %add3A_140 : i32
      %add3A_142 = arith.constant 1 : i32
      %add3A_143 = arith.addi %add3A_141, %add3A_142 : i32
      %lt3A_144 = arith.constant 26 : i32
      %lt3A_145 = arith.cmpi slt, %add3A_143, %lt3A_144 : i32
      %convert_element_type3A_146 = arith.extui %lt3A_145 : i1 to i32
      %cond3A_147 = arith.constant 0 : i32
      %cond3A_148 = arith.cmpi ne, %convert_element_type3A_146, %cond3A_147 : i32
      scf.if %cond3A_148 {
        %add3A_217 = arith.constant 1 : i32
        %add3A_218 = arith.addi %add3A_141, %add3A_217 : i32
        %mul3A_219 = arith.constant 26 : i32
        %mul3A_220 = arith.muli %add3A, %mul3A_219 : i32
        %add3A_221 = arith.addi %mul3A_220, %add3A_218 : i32
        %jit3A_222 = arith.constant 32 : i32
        %div3A_223 = arith.divsi %add3A_221, %jit3A_222 : i32
        %sign3A_224 = arith.constant 0 : i32
        %sign3A_225 = arith.cmpi sgt, %add3A_221, %sign3A_224 : i32
        %sign3A_226 = arith.extui %sign3A_225 : i1 to i32
        %sign3A_227 = arith.constant 0 : i32
        %sign3A_228 = arith.cmpi slt, %add3A_221, %sign3A_227 : i32
        %sign3A_229 = arith.extui %sign3A_228 : i1 to i32
        %sign3A_230 = arith.subi %sign3A_226, %sign3A_229 : i32
        %sign3A_231 = arith.constant 0 : i32
        %sign3A_232 = arith.cmpi sgt, %jit3A_222, %sign3A_231 : i32
        %sign3A_233 = arith.extui %sign3A_232 : i1 to i32
        %sign3A_234 = arith.constant 0 : i32
        %sign3A_235 = arith.cmpi slt, %jit3A_222, %sign3A_234 : i32
        %sign3A_236 = arith.extui %sign3A_235 : i1 to i32
        %sign3A_237 = arith.subi %sign3A_233, %sign3A_236 : i32
        %ne3A_238 = arith.cmpi ne, %sign3A_230, %sign3A_237 : i32
        %rem3A_239 = arith.remsi %add3A_221, %jit3A_222 : i32
        %ne3A_240 = arith.constant 0 : i32
        %ne3A_241 = arith.cmpi ne, %rem3A_239, %ne3A_240 : i32
        %and3A_242 = arith.andi %ne3A_238, %ne3A_241 : i1
        %sub3A_243 = arith.constant 1 : i32
        %sub3A_244 = arith.subi %div3A_223, %sub3A_243 : i32
        %select_n3A_245 = arith.select %and3A_242, %sub3A_244, %div3A_223 : i32
        %jit3A_246 = arith.constant 32 : i32
        %eq3A_247 = arith.constant 0 : i32
        %eq3A_248 = arith.cmpi eq, %jit3A_246, %eq3A_247 : i32
        %jit3A_249 = arith.constant 1 : i32
        %select_n3A_250 = arith.select %eq3A_248, %jit3A_249, %jit3A_246 : i32
        %rem3A_251 = arith.remsi %add3A_221, %select_n3A_250 : i32
        %ne3A_252 = arith.constant 0 : i32
        %ne3A_253 = arith.cmpi ne, %rem3A_251, %ne3A_252 : i32
        %lt3A_254 = arith.constant 0 : i32
        %lt3A_255 = arith.cmpi slt, %rem3A_251, %lt3A_254 : i32
        %lt3A_256 = arith.constant 0 : i32
        %lt3A_257 = arith.cmpi slt, %select_n3A_250, %lt3A_256 : i32
        %ne3A_258 = arith.xori %lt3A_255, %lt3A_257 : i1
        %and3A_259 = arith.andi %ne3A_258, %ne3A_253 : i1
        %add3A_260 = arith.addi %rem3A_251, %select_n3A_250 : i32
        %select_n3A_261 = arith.select %and3A_259, %add3A_260, %rem3A_251 : i32
        %mul3A_262 = arith.constant 128 : i32
        %mul3A_263 = arith.muli %select_n3A_261, %mul3A_262 : i32
        "tpu.region"() ({
          %run_scoped3A = tpu.sem_alloc : memref<!tpu.dma_semaphore, #tpu.memory_space<semaphore_mem>>
          %dma_start3A_267 = tpu.memref_slice %arg3[%select_n3A_245, %mul3A_263] : memref<26x4096xi32, #tpu.memory_space<hbm>> -> memref<1x128xi32, #tpu.memory_space<hbm>>
          %dma_start3A_268 = tpu.memref_squeeze %dma_start3A_267 : memref<1x128xi32, #tpu.memory_space<hbm>> -> memref<128xi32, #tpu.memory_space<hbm>>
          %dma_start3A_269 = tpu.memref_slice %arg3[%select_n3A_245, %mul3A_263] : memref<26x4096xi32, #tpu.memory_space<hbm>> -> memref<1x128xi32, #tpu.memory_space<hbm>>
          %dma_start3A_270 = tpu.memref_squeeze %dma_start3A_269 : memref<1x128xi32, #tpu.memory_space<hbm>> -> memref<128xi32, #tpu.memory_space<hbm>>
          tpu.enqueue_dma source(%dma_start3A_270 : memref<128xi32, #tpu.memory_space<hbm>>) target(%arg5 : memref<128xi32, #tpu.memory_space<vmem>>) target_semaphore(%run_scoped3A : memref<!tpu.dma_semaphore, #tpu.memory_space<semaphore_mem>>)
          %dma_wait3A_271 = tpu.memref_slice %arg3[%select_n3A_245, %mul3A_263] : memref<26x4096xi32, #tpu.memory_space<hbm>> -> memref<1x128xi32, #tpu.memory_space<hbm>>
          %dma_wait3A_272 = tpu.memref_squeeze %dma_wait3A_271 : memref<1x128xi32, #tpu.memory_space<hbm>> -> memref<128xi32, #tpu.memory_space<hbm>>
          %dma_wait3A_273 = tpu.memref_slice %arg3[%select_n3A_245, %mul3A_263] : memref<26x4096xi32, #tpu.memory_space<hbm>> -> memref<1x128xi32, #tpu.memory_space<hbm>>
          %dma_wait3A_274 = tpu.memref_squeeze %dma_wait3A_273 : memref<1x128xi32, #tpu.memory_space<hbm>> -> memref<128xi32, #tpu.memory_space<hbm>>
          tpu.wait_dma2 semaphore(%run_scoped3A : memref<!tpu.dma_semaphore, #tpu.memory_space<semaphore_mem>>) src(%dma_wait3A_274 : memref<128xi32, #tpu.memory_space<hbm>>) dst(%arg5 : memref<128xi32, #tpu.memory_space<vmem>>)
          tpu.yield
        }) : () -> ()
        %dma_start3A_264 = arith.constant 0 : i32
        %dma_start3A_265 = arith.constant 0 : i32
        %dma_start3A_266 = tpu.memref_slice %arg2[%dma_start3A_264, %dma_start3A_265] : memref<1000002x32xf32, #tpu.memory_space<hbm>> -> memref<1000002x32xf32, #tpu.memory_space<hbm>>
        tpu.enqueue_indirect_dma source(%dma_start3A_266 : memref<1000002x32xf32, #tpu.memory_space<hbm>>) target(%arg7 : memref<128x32xf32, #tpu.memory_space<vmem>>) offsets(%arg5 : memref<128xi32, #tpu.memory_space<vmem>>) semaphore(%arg11 : memref<!tpu.dma_semaphore, #tpu.memory_space<semaphore_mem>>)
      } else {
      }
      %dma_wait3A_149 = arith.constant 0 : i32
      %dma_wait3A_150 = arith.constant 0 : i32
      %dma_wait3A_151 = tpu.memref_slice %arg2[%dma_wait3A_149, %dma_wait3A_150] : memref<1000002x32xf32, #tpu.memory_space<hbm>> -> memref<128x32xf32, #tpu.memory_space<hbm>>
      %dma_wait3A_152 = arith.constant 0 : i32
      %dma_wait3A_153 = arith.constant 0 : i32
      %dma_wait3A_154 = tpu.memref_slice %arg2[%dma_wait3A_152, %dma_wait3A_153] : memref<1000002x32xf32, #tpu.memory_space<hbm>> -> memref<128x32xf32, #tpu.memory_space<hbm>>
      tpu.wait_dma2 semaphore(%arg12 : memref<!tpu.dma_semaphore, #tpu.memory_space<semaphore_mem>>) src(%dma_wait3A_154 : memref<128x32xf32, #tpu.memory_space<hbm>>) dst(%arg8 : memref<128x32xf32, #tpu.memory_space<vmem>>)
      %scan3A_155 = arith.constant 0 : i32
      %scan3A_156 = arith.constant 0 : i32
      %scan3A_157 = arith.constant 8 : i32
      %scan3A_158 = arith.addi %scan3A_156, %scan3A_157 : i32
      %scan3A_159 = arith.constant 1 : i32
      scf.for %scan3A_217 = %scan3A_156 to %scan3A_158 step %scan3A_159  : i32 {
        %mul3A_218 = arith.constant 16 : i32
        %mul3A_219 = arith.muli %scan3A_217, %mul3A_218 : i32
        %add3A_220 = vector.broadcast %mul3A_219 : i32 to vector<16xi32>
        %add3A_221 = arith.addi %iota3A, %add3A_220 : vector<16xi32>
        %broadcast_in_dim3A = arith.constant 0 : i32
        %broadcast_in_dim3A_222 = vector.broadcast %broadcast_in_dim3A : i32 to vector<16xi32>
        %gather3A = tpu.vector_load_idx %arg8[%add3A_221, %broadcast_in_dim3A_222] : memref<128x32xf32, #tpu.memory_space<vmem>>[vector<16xi32>, vector<16xi32>], vector<16xf32>,
        %broadcast_in_dim3A_223 = arith.constant 1 : i32
        %broadcast_in_dim3A_224 = vector.broadcast %broadcast_in_dim3A_223 : i32 to vector<16xi32>
        %gather3A_225 = tpu.vector_load_idx %arg8[%add3A_221, %broadcast_in_dim3A_224] : memref<128x32xf32, #tpu.memory_space<vmem>>[vector<16xi32>, vector<16xi32>], vector<16xf32>,
        %broadcast_in_dim3A_226 = arith.constant 2 : i32
        %broadcast_in_dim3A_227 = vector.broadcast %broadcast_in_dim3A_226 : i32 to vector<16xi32>
        %gather3A_228 = tpu.vector_load_idx %arg8[%add3A_221, %broadcast_in_dim3A_227] : memref<128x32xf32, #tpu.memory_space<vmem>>[vector<16xi32>, vector<16xi32>], vector<16xf32>,
        %broadcast_in_dim3A_229 = arith.constant 3 : i32
        %broadcast_in_dim3A_230 = vector.broadcast %broadcast_in_dim3A_229 : i32 to vector<16xi32>
        %gather3A_231 = tpu.vector_load_idx %arg8[%add3A_221, %broadcast_in_dim3A_230] : memref<128x32xf32, #tpu.memory_space<vmem>>[vector<16xi32>, vector<16xi32>], vector<16xf32>,
        %broadcast_in_dim3A_232 = arith.constant 4 : i32
        %broadcast_in_dim3A_233 = vector.broadcast %broadcast_in_dim3A_232 : i32 to vector<16xi32>
        %gather3A_234 = tpu.vector_load_idx %arg8[%add3A_221, %broadcast_in_dim3A_233] : memref<128x32xf32, #tpu.memory_space<vmem>>[vector<16xi32>, vector<16xi32>], vector<16xf32>,
        %broadcast_in_dim3A_235 = arith.constant 5 : i32
        %broadcast_in_dim3A_236 = vector.broadcast %broadcast_in_dim3A_235 : i32 to vector<16xi32>
        %gather3A_237 = tpu.vector_load_idx %arg8[%add3A_221, %broadcast_in_dim3A_236] : memref<128x32xf32, #tpu.memory_space<vmem>>[vector<16xi32>, vector<16xi32>], vector<16xf32>,
        %broadcast_in_dim3A_238 = arith.constant 6 : i32
        %broadcast_in_dim3A_239 = vector.broadcast %broadcast_in_dim3A_238 : i32 to vector<16xi32>
        %gather3A_240 = tpu.vector_load_idx %arg8[%add3A_221, %broadcast_in_dim3A_239] : memref<128x32xf32, #tpu.memory_space<vmem>>[vector<16xi32>, vector<16xi32>], vector<16xf32>,
        %broadcast_in_dim3A_241 = arith.constant 7 : i32
        %broadcast_in_dim3A_242 = vector.broadcast %broadcast_in_dim3A_241 : i32 to vector<16xi32>
        %gather3A_243 = tpu.vector_load_idx %arg8[%add3A_221, %broadcast_in_dim3A_242] : memref<128x32xf32, #tpu.memory_space<vmem>>[vector<16xi32>, vector<16xi32>], vector<16xf32>,
        %mul3A_244 = arith.constant 16 : i32
        %mul3A_245 = arith.muli %scan3A_217, %mul3A_244 : i32
        %swap3A = arith.constant 0 : i32
        %swap3A_246 = arith.index_cast %swap3A : i32 to index
        %swap3A_247 = arith.index_cast %mul3A_245 : i32 to index
        %swap3A_248 = tpu.vector_load %arg10[%swap3A_246, %swap3A_247] {strides = array<i32>} : memref<32x128xf32, #tpu.memory_space<vmem>>, vector<16xf32>,
        tpu.vector_store %arg10[%swap3A_246, %swap3A_247], %gather3A {strides = array<i32>} : memref<32x128xf32, #tpu.memory_space<vmem>>, vector<16xf32>,
        %mul3A_249 = arith.constant 16 : i32
        %mul3A_250 = arith.muli %scan3A_217, %mul3A_249 : i32
        %swap3A_251 = arith.constant 1 : i32
        %swap3A_252 = arith.index_cast %swap3A_251 : i32 to index
        %swap3A_253 = arith.index_cast %mul3A_250 : i32 to index
        %swap3A_254 = tpu.vector_load %arg10[%swap3A_252, %swap3A_253] {strides = array<i32>} : memref<32x128xf32, #tpu.memory_space<vmem>>, vector<16xf32>,
        tpu.vector_store %arg10[%swap3A_252, %swap3A_253], %gather3A_225 {strides = array<i32>} : memref<32x128xf32, #tpu.memory_space<vmem>>, vector<16xf32>,
        %mul3A_255 = arith.constant 16 : i32
        %mul3A_256 = arith.muli %scan3A_217, %mul3A_255 : i32
        %swap3A_257 = arith.constant 2 : i32
        %swap3A_258 = arith.index_cast %swap3A_257 : i32 to index
        %swap3A_259 = arith.index_cast %mul3A_256 : i32 to index
        %swap3A_260 = tpu.vector_load %arg10[%swap3A_258, %swap3A_259] {strides = array<i32>} : memref<32x128xf32, #tpu.memory_space<vmem>>, vector<16xf32>,
        tpu.vector_store %arg10[%swap3A_258, %swap3A_259], %gather3A_228 {strides = array<i32>} : memref<32x128xf32, #tpu.memory_space<vmem>>, vector<16xf32>,
        %mul3A_261 = arith.constant 16 : i32
        %mul3A_262 = arith.muli %scan3A_217, %mul3A_261 : i32
        %swap3A_263 = arith.constant 3 : i32
        %swap3A_264 = arith.index_cast %swap3A_263 : i32 to index
        %swap3A_265 = arith.index_cast %mul3A_262 : i32 to index
        %swap3A_266 = tpu.vector_load %arg10[%swap3A_264, %swap3A_265] {strides = array<i32>} : memref<32x128xf32, #tpu.memory_space<vmem>>, vector<16xf32>,
        tpu.vector_store %arg10[%swap3A_264, %swap3A_265], %gather3A_231 {strides = array<i32>} : memref<32x128xf32, #tpu.memory_space<vmem>>, vector<16xf32>,
        %mul3A_267 = arith.constant 16 : i32
        %mul3A_268 = arith.muli %scan3A_217, %mul3A_267 : i32
        %swap3A_269 = arith.constant 4 : i32
        %swap3A_270 = arith.index_cast %swap3A_269 : i32 to index
        %swap3A_271 = arith.index_cast %mul3A_268 : i32 to index
        %swap3A_272 = tpu.vector_load %arg10[%swap3A_270, %swap3A_271] {strides = array<i32>} : memref<32x128xf32, #tpu.memory_space<vmem>>, vector<16xf32>,
        tpu.vector_store %arg10[%swap3A_270, %swap3A_271], %gather3A_234 {strides = array<i32>} : memref<32x128xf32, #tpu.memory_space<vmem>>, vector<16xf32>,
        %mul3A_273 = arith.constant 16 : i32
        %mul3A_274 = arith.muli %scan3A_217, %mul3A_273 : i32
        %swap3A_275 = arith.constant 5 : i32
        %swap3A_276 = arith.index_cast %swap3A_275 : i32 to index
        %swap3A_277 = arith.index_cast %mul3A_274 : i32 to index
        %swap3A_278 = tpu.vector_load %arg10[%swap3A_276, %swap3A_277] {strides = array<i32>} : memref<32x128xf32, #tpu.memory_space<vmem>>, vector<16xf32>,
        tpu.vector_store %arg10[%swap3A_276, %swap3A_277], %gather3A_237 {strides = array<i32>} : memref<32x128xf32, #tpu.memory_space<vmem>>, vector<16xf32>,
        %mul3A_279 = arith.constant 16 : i32
        %mul3A_280 = arith.muli %scan3A_217, %mul3A_279 : i32
        %swap3A_281 = arith.constant 6 : i32
        %swap3A_282 = arith.index_cast %swap3A_281 : i32 to index
        %swap3A_283 = arith.index_cast %mul3A_280 : i32 to index
        %swap3A_284 = tpu.vector_load %arg10[%swap3A_282, %swap3A_283] {strides = array<i32>} : memref<32x128xf32, #tpu.memory_space<vmem>>, vector<16xf32>,
        tpu.vector_store %arg10[%swap3A_282, %swap3A_283], %gather3A_240 {strides = array<i32>} : memref<32x128xf32, #tpu.memory_space<vmem>>, vector<16xf32>,
        %mul3A_285 = arith.constant 16 : i32
        %mul3A_286 = arith.muli %scan3A_217, %mul3A_285 : i32
        %swap3A_287 = arith.constant 7 : i32
        %swap3A_288 = arith.index_cast %swap3A_287 : i32 to index
        %swap3A_289 = arith.index_cast %mul3A_286 : i32 to index
        %swap3A_290 = tpu.vector_load %arg10[%swap3A_288, %swap3A_289] {strides = array<i32>} : memref<32x128xf32, #tpu.memory_space<vmem>>, vector<16xf32>,
        tpu.vector_store %arg10[%swap3A_288, %swap3A_289], %gather3A_243 {strides = array<i32>} : memref<32x128xf32, #tpu.memory_space<vmem>>, vector<16xf32>,
        %broadcast_in_dim3A_291 = arith.constant 8 : i32
        %broadcast_in_dim3A_292 = vector.broadcast %broadcast_in_dim3A_291 : i32 to vector<16xi32>
        %gather3A_293 = tpu.vector_load_idx %arg8[%add3A_221, %broadcast_in_dim3A_292] : memref<128x32xf32, #tpu.memory_space<vmem>>[vector<16xi32>, vector<16xi32>], vector<16xf32>,
        %broadcast_in_dim3A_294 = arith.constant 9 : i32
        %broadcast_in_dim3A_295 = vector.broadcast %broadcast_in_dim3A_294 : i32 to vector<16xi32>
        %gather3A_296 = tpu.vector_load_idx %arg8[%add3A_221, %broadcast_in_dim3A_295] : memref<128x32xf32, #tpu.memory_space<vmem>>[vector<16xi32>, vector<16xi32>], vector<16xf32>,
        %broadcast_in_dim3A_297 = arith.constant 10 : i32
        %broadcast_in_dim3A_298 = vector.broadcast %broadcast_in_dim3A_297 : i32 to vector<16xi32>
        %gather3A_299 = tpu.vector_load_idx %arg8[%add3A_221, %broadcast_in_dim3A_298] : memref<128x32xf32, #tpu.memory_space<vmem>>[vector<16xi32>, vector<16xi32>], vector<16xf32>,
        %broadcast_in_dim3A_300 = arith.constant 11 : i32
        %broadcast_in_dim3A_301 = vector.broadcast %broadcast_in_dim3A_300 : i32 to vector<16xi32>
        %gather3A_302 = tpu.vector_load_idx %arg8[%add3A_221, %broadcast_in_dim3A_301] : memref<128x32xf32, #tpu.memory_space<vmem>>[vector<16xi32>, vector<16xi32>], vector<16xf32>,
        %broadcast_in_dim3A_303 = arith.constant 12 : i32
        %broadcast_in_dim3A_304 = vector.broadcast %broadcast_in_dim3A_303 : i32 to vector<16xi32>
        %gather3A_305 = tpu.vector_load_idx %arg8[%add3A_221, %broadcast_in_dim3A_304] : memref<128x32xf32, #tpu.memory_space<vmem>>[vector<16xi32>, vector<16xi32>], vector<16xf32>,
        %broadcast_in_dim3A_306 = arith.constant 13 : i32
        %broadcast_in_dim3A_307 = vector.broadcast %broadcast_in_dim3A_306 : i32 to vector<16xi32>
        %gather3A_308 = tpu.vector_load_idx %arg8[%add3A_221, %broadcast_in_dim3A_307] : memref<128x32xf32, #tpu.memory_space<vmem>>[vector<16xi32>, vector<16xi32>], vector<16xf32>,
        %broadcast_in_dim3A_309 = arith.constant 14 : i32
        %broadcast_in_dim3A_310 = vector.broadcast %broadcast_in_dim3A_309 : i32 to vector<16xi32>
        %gather3A_311 = tpu.vector_load_idx %arg8[%add3A_221, %broadcast_in_dim3A_310] : memref<128x32xf32, #tpu.memory_space<vmem>>[vector<16xi32>, vector<16xi32>], vector<16xf32>,
        %broadcast_in_dim3A_312 = arith.constant 15 : i32
        %broadcast_in_dim3A_313 = vector.broadcast %broadcast_in_dim3A_312 : i32 to vector<16xi32>
        %gather3A_314 = tpu.vector_load_idx %arg8[%add3A_221, %broadcast_in_dim3A_313] : memref<128x32xf32, #tpu.memory_space<vmem>>[vector<16xi32>, vector<16xi32>], vector<16xf32>,
        %mul3A_315 = arith.constant 16 : i32
        %mul3A_316 = arith.muli %scan3A_217, %mul3A_315 : i32
        %swap3A_317 = arith.constant 8 : i32
        %swap3A_318 = arith.index_cast %swap3A_317 : i32 to index
        %swap3A_319 = arith.index_cast %mul3A_316 : i32 to index
        %swap3A_320 = tpu.vector_load %arg10[%swap3A_318, %swap3A_319] {strides = array<i32>} : memref<32x128xf32, #tpu.memory_space<vmem>>, vector<16xf32>,
        tpu.vector_store %arg10[%swap3A_318, %swap3A_319], %gather3A_293 {strides = array<i32>} : memref<32x128xf32, #tpu.memory_space<vmem>>, vector<16xf32>,
        %mul3A_321 = arith.constant 16 : i32
        %mul3A_322 = arith.muli %scan3A_217, %mul3A_321 : i32
        %swap3A_323 = arith.constant 9 : i32
        %swap3A_324 = arith.index_cast %swap3A_323 : i32 to index
        %swap3A_325 = arith.index_cast %mul3A_322 : i32 to index
        %swap3A_326 = tpu.vector_load %arg10[%swap3A_324, %swap3A_325] {strides = array<i32>} : memref<32x128xf32, #tpu.memory_space<vmem>>, vector<16xf32>,
        tpu.vector_store %arg10[%swap3A_324, %swap3A_325], %gather3A_296 {strides = array<i32>} : memref<32x128xf32, #tpu.memory_space<vmem>>, vector<16xf32>,
        %mul3A_327 = arith.constant 16 : i32
        %mul3A_328 = arith.muli %scan3A_217, %mul3A_327 : i32
        %swap3A_329 = arith.constant 10 : i32
        %swap3A_330 = arith.index_cast %swap3A_329 : i32 to index
        %swap3A_331 = arith.index_cast %mul3A_328 : i32 to index
        %swap3A_332 = tpu.vector_load %arg10[%swap3A_330, %swap3A_331] {strides = array<i32>} : memref<32x128xf32, #tpu.memory_space<vmem>>, vector<16xf32>,
        tpu.vector_store %arg10[%swap3A_330, %swap3A_331], %gather3A_299 {strides = array<i32>} : memref<32x128xf32, #tpu.memory_space<vmem>>, vector<16xf32>,
        %mul3A_333 = arith.constant 16 : i32
        %mul3A_334 = arith.muli %scan3A_217, %mul3A_333 : i32
        %swap3A_335 = arith.constant 11 : i32
        %swap3A_336 = arith.index_cast %swap3A_335 : i32 to index
        %swap3A_337 = arith.index_cast %mul3A_334 : i32 to index
        %swap3A_338 = tpu.vector_load %arg10[%swap3A_336, %swap3A_337] {strides = array<i32>} : memref<32x128xf32, #tpu.memory_space<vmem>>, vector<16xf32>,
        tpu.vector_store %arg10[%swap3A_336, %swap3A_337], %gather3A_302 {strides = array<i32>} : memref<32x128xf32, #tpu.memory_space<vmem>>, vector<16xf32>,
        %mul3A_339 = arith.constant 16 : i32
        %mul3A_340 = arith.muli %scan3A_217, %mul3A_339 : i32
        %swap3A_341 = arith.constant 12 : i32
        %swap3A_342 = arith.index_cast %swap3A_341 : i32 to index
        %swap3A_343 = arith.index_cast %mul3A_340 : i32 to index
        %swap3A_344 = tpu.vector_load %arg10[%swap3A_342, %swap3A_343] {strides = array<i32>} : memref<32x128xf32, #tpu.memory_space<vmem>>, vector<16xf32>,
        tpu.vector_store %arg10[%swap3A_342, %swap3A_343], %gather3A_305 {strides = array<i32>} : memref<32x128xf32, #tpu.memory_space<vmem>>, vector<16xf32>,
        %mul3A_345 = arith.constant 16 : i32
        %mul3A_346 = arith.muli %scan3A_217, %mul3A_345 : i32
        %swap3A_347 = arith.constant 13 : i32
        %swap3A_348 = arith.index_cast %swap3A_347 : i32 to index
        %swap3A_349 = arith.index_cast %mul3A_346 : i32 to index
        %swap3A_350 = tpu.vector_load %arg10[%swap3A_348, %swap3A_349] {strides = array<i32>} : memref<32x128xf32, #tpu.memory_space<vmem>>, vector<16xf32>,
        tpu.vector_store %arg10[%swap3A_348, %swap3A_349], %gather3A_308 {strides = array<i32>} : memref<32x128xf32, #tpu.memory_space<vmem>>, vector<16xf32>,
        %mul3A_351 = arith.constant 16 : i32
        %mul3A_352 = arith.muli %scan3A_217, %mul3A_351 : i32
        %swap3A_353 = arith.constant 14 : i32
        %swap3A_354 = arith.index_cast %swap3A_353 : i32 to index
        %swap3A_355 = arith.index_cast %mul3A_352 : i32 to index
        %swap3A_356 = tpu.vector_load %arg10[%swap3A_354, %swap3A_355] {strides = array<i32>} : memref<32x128xf32, #tpu.memory_space<vmem>>, vector<16xf32>,
        tpu.vector_store %arg10[%swap3A_354, %swap3A_355], %gather3A_311 {strides = array<i32>} : memref<32x128xf32, #tpu.memory_space<vmem>>, vector<16xf32>,
        %mul3A_357 = arith.constant 16 : i32
        %mul3A_358 = arith.muli %scan3A_217, %mul3A_357 : i32
        %swap3A_359 = arith.constant 15 : i32
        %swap3A_360 = arith.index_cast %swap3A_359 : i32 to index
        %swap3A_361 = arith.index_cast %mul3A_358 : i32 to index
        %swap3A_362 = tpu.vector_load %arg10[%swap3A_360, %swap3A_361] {strides = array<i32>} : memref<32x128xf32, #tpu.memory_space<vmem>>, vector<16xf32>,
        tpu.vector_store %arg10[%swap3A_360, %swap3A_361], %gather3A_314 {strides = array<i32>} : memref<32x128xf32, #tpu.memory_space<vmem>>, vector<16xf32>,
        %broadcast_in_dim3A_363 = arith.constant 16 : i32
        %broadcast_in_dim3A_364 = vector.broadcast %broadcast_in_dim3A_363 : i32 to vector<16xi32>
        %gather3A_365 = tpu.vector_load_idx %arg8[%add3A_221, %broadcast_in_dim3A_364] : memref<128x32xf32, #tpu.memory_space<vmem>>[vector<16xi32>, vector<16xi32>], vector<16xf32>,
        %broadcast_in_dim3A_366 = arith.constant 17 : i32
        %broadcast_in_dim3A_367 = vector.broadcast %broadcast_in_dim3A_366 : i32 to vector<16xi32>
        %gather3A_368 = tpu.vector_load_idx %arg8[%add3A_221, %broadcast_in_dim3A_367] : memref<128x32xf32, #tpu.memory_space<vmem>>[vector<16xi32>, vector<16xi32>], vector<16xf32>,
        %broadcast_in_dim3A_369 = arith.constant 18 : i32
        %broadcast_in_dim3A_370 = vector.broadcast %broadcast_in_dim3A_369 : i32 to vector<16xi32>
        %gather3A_371 = tpu.vector_load_idx %arg8[%add3A_221, %broadcast_in_dim3A_370] : memref<128x32xf32, #tpu.memory_space<vmem>>[vector<16xi32>, vector<16xi32>], vector<16xf32>,
        %broadcast_in_dim3A_372 = arith.constant 19 : i32
        %broadcast_in_dim3A_373 = vector.broadcast %broadcast_in_dim3A_372 : i32 to vector<16xi32>
        %gather3A_374 = tpu.vector_load_idx %arg8[%add3A_221, %broadcast_in_dim3A_373] : memref<128x32xf32, #tpu.memory_space<vmem>>[vector<16xi32>, vector<16xi32>], vector<16xf32>,
        %broadcast_in_dim3A_375 = arith.constant 20 : i32
        %broadcast_in_dim3A_376 = vector.broadcast %broadcast_in_dim3A_375 : i32 to vector<16xi32>
        %gather3A_377 = tpu.vector_load_idx %arg8[%add3A_221, %broadcast_in_dim3A_376] : memref<128x32xf32, #tpu.memory_space<vmem>>[vector<16xi32>, vector<16xi32>], vector<16xf32>,
        %broadcast_in_dim3A_378 = arith.constant 21 : i32
        %broadcast_in_dim3A_379 = vector.broadcast %broadcast_in_dim3A_378 : i32 to vector<16xi32>
        %gather3A_380 = tpu.vector_load_idx %arg8[%add3A_221, %broadcast_in_dim3A_379] : memref<128x32xf32, #tpu.memory_space<vmem>>[vector<16xi32>, vector<16xi32>], vector<16xf32>,
        %broadcast_in_dim3A_381 = arith.constant 22 : i32
        %broadcast_in_dim3A_382 = vector.broadcast %broadcast_in_dim3A_381 : i32 to vector<16xi32>
        %gather3A_383 = tpu.vector_load_idx %arg8[%add3A_221, %broadcast_in_dim3A_382] : memref<128x32xf32, #tpu.memory_space<vmem>>[vector<16xi32>, vector<16xi32>], vector<16xf32>,
        %broadcast_in_dim3A_384 = arith.constant 23 : i32
        %broadcast_in_dim3A_385 = vector.broadcast %broadcast_in_dim3A_384 : i32 to vector<16xi32>
        %gather3A_386 = tpu.vector_load_idx %arg8[%add3A_221, %broadcast_in_dim3A_385] : memref<128x32xf32, #tpu.memory_space<vmem>>[vector<16xi32>, vector<16xi32>], vector<16xf32>,
        %mul3A_387 = arith.constant 16 : i32
        %mul3A_388 = arith.muli %scan3A_217, %mul3A_387 : i32
        %swap3A_389 = arith.constant 16 : i32
        %swap3A_390 = arith.index_cast %swap3A_389 : i32 to index
        %swap3A_391 = arith.index_cast %mul3A_388 : i32 to index
        %swap3A_392 = tpu.vector_load %arg10[%swap3A_390, %swap3A_391] {strides = array<i32>} : memref<32x128xf32, #tpu.memory_space<vmem>>, vector<16xf32>,
        tpu.vector_store %arg10[%swap3A_390, %swap3A_391], %gather3A_365 {strides = array<i32>} : memref<32x128xf32, #tpu.memory_space<vmem>>, vector<16xf32>,
        %mul3A_393 = arith.constant 16 : i32
        %mul3A_394 = arith.muli %scan3A_217, %mul3A_393 : i32
        %swap3A_395 = arith.constant 17 : i32
        %swap3A_396 = arith.index_cast %swap3A_395 : i32 to index
        %swap3A_397 = arith.index_cast %mul3A_394 : i32 to index
        %swap3A_398 = tpu.vector_load %arg10[%swap3A_396, %swap3A_397] {strides = array<i32>} : memref<32x128xf32, #tpu.memory_space<vmem>>, vector<16xf32>,
        tpu.vector_store %arg10[%swap3A_396, %swap3A_397], %gather3A_368 {strides = array<i32>} : memref<32x128xf32, #tpu.memory_space<vmem>>, vector<16xf32>,
        %mul3A_399 = arith.constant 16 : i32
        %mul3A_400 = arith.muli %scan3A_217, %mul3A_399 : i32
        %swap3A_401 = arith.constant 18 : i32
        %swap3A_402 = arith.index_cast %swap3A_401 : i32 to index
        %swap3A_403 = arith.index_cast %mul3A_400 : i32 to index
        %swap3A_404 = tpu.vector_load %arg10[%swap3A_402, %swap3A_403] {strides = array<i32>} : memref<32x128xf32, #tpu.memory_space<vmem>>, vector<16xf32>,
        tpu.vector_store %arg10[%swap3A_402, %swap3A_403], %gather3A_371 {strides = array<i32>} : memref<32x128xf32, #tpu.memory_space<vmem>>, vector<16xf32>,
        %mul3A_405 = arith.constant 16 : i32
        %mul3A_406 = arith.muli %scan3A_217, %mul3A_405 : i32
        %swap3A_407 = arith.constant 19 : i32
        %swap3A_408 = arith.index_cast %swap3A_407 : i32 to index
        %swap3A_409 = arith.index_cast %mul3A_406 : i32 to index
        %swap3A_410 = tpu.vector_load %arg10[%swap3A_408, %swap3A_409] {strides = array<i32>} : memref<32x128xf32, #tpu.memory_space<vmem>>, vector<16xf32>,
        tpu.vector_store %arg10[%swap3A_408, %swap3A_409], %gather3A_374 {strides = array<i32>} : memref<32x128xf32, #tpu.memory_space<vmem>>, vector<16xf32>,
        %mul3A_411 = arith.constant 16 : i32
        %mul3A_412 = arith.muli %scan3A_217, %mul3A_411 : i32
        %swap3A_413 = arith.constant 20 : i32
        %swap3A_414 = arith.index_cast %swap3A_413 : i32 to index
        %swap3A_415 = arith.index_cast %mul3A_412 : i32 to index
        %swap3A_416 = tpu.vector_load %arg10[%swap3A_414, %swap3A_415] {strides = array<i32>} : memref<32x128xf32, #tpu.memory_space<vmem>>, vector<16xf32>,
        tpu.vector_store %arg10[%swap3A_414, %swap3A_415], %gather3A_377 {strides = array<i32>} : memref<32x128xf32, #tpu.memory_space<vmem>>, vector<16xf32>,
        %mul3A_417 = arith.constant 16 : i32
        %mul3A_418 = arith.muli %scan3A_217, %mul3A_417 : i32
        %swap3A_419 = arith.constant 21 : i32
        %swap3A_420 = arith.index_cast %swap3A_419 : i32 to index
        %swap3A_421 = arith.index_cast %mul3A_418 : i32 to index
        %swap3A_422 = tpu.vector_load %arg10[%swap3A_420, %swap3A_421] {strides = array<i32>} : memref<32x128xf32, #tpu.memory_space<vmem>>, vector<16xf32>,
        tpu.vector_store %arg10[%swap3A_420, %swap3A_421], %gather3A_380 {strides = array<i32>} : memref<32x128xf32, #tpu.memory_space<vmem>>, vector<16xf32>,
        %mul3A_423 = arith.constant 16 : i32
        %mul3A_424 = arith.muli %scan3A_217, %mul3A_423 : i32
        %swap3A_425 = arith.constant 22 : i32
        %swap3A_426 = arith.index_cast %swap3A_425 : i32 to index
        %swap3A_427 = arith.index_cast %mul3A_424 : i32 to index
        %swap3A_428 = tpu.vector_load %arg10[%swap3A_426, %swap3A_427] {strides = array<i32>} : memref<32x128xf32, #tpu.memory_space<vmem>>, vector<16xf32>,
        tpu.vector_store %arg10[%swap3A_426, %swap3A_427], %gather3A_383 {strides = array<i32>} : memref<32x128xf32, #tpu.memory_space<vmem>>, vector<16xf32>,
        %mul3A_429 = arith.constant 16 : i32
        %mul3A_430 = arith.muli %scan3A_217, %mul3A_429 : i32
        %swap3A_431 = arith.constant 23 : i32
        %swap3A_432 = arith.index_cast %swap3A_431 : i32 to index
        %swap3A_433 = arith.index_cast %mul3A_430 : i32 to index
        %swap3A_434 = tpu.vector_load %arg10[%swap3A_432, %swap3A_433] {strides = array<i32>} : memref<32x128xf32, #tpu.memory_space<vmem>>, vector<16xf32>,
        tpu.vector_store %arg10[%swap3A_432, %swap3A_433], %gather3A_386 {strides = array<i32>} : memref<32x128xf32, #tpu.memory_space<vmem>>, vector<16xf32>,
        %broadcast_in_dim3A_435 = arith.constant 24 : i32
        %broadcast_in_dim3A_436 = vector.broadcast %broadcast_in_dim3A_435 : i32 to vector<16xi32>
        %gather3A_437 = tpu.vector_load_idx %arg8[%add3A_221, %broadcast_in_dim3A_436] : memref<128x32xf32, #tpu.memory_space<vmem>>[vector<16xi32>, vector<16xi32>], vector<16xf32>,
        %broadcast_in_dim3A_438 = arith.constant 25 : i32
        %broadcast_in_dim3A_439 = vector.broadcast %broadcast_in_dim3A_438 : i32 to vector<16xi32>
        %gather3A_440 = tpu.vector_load_idx %arg8[%add3A_221, %broadcast_in_dim3A_439] : memref<128x32xf32, #tpu.memory_space<vmem>>[vector<16xi32>, vector<16xi32>], vector<16xf32>,
        %broadcast_in_dim3A_441 = arith.constant 26 : i32
        %broadcast_in_dim3A_442 = vector.broadcast %broadcast_in_dim3A_441 : i32 to vector<16xi32>
        %gather3A_443 = tpu.vector_load_idx %arg8[%add3A_221, %broadcast_in_dim3A_442] : memref<128x32xf32, #tpu.memory_space<vmem>>[vector<16xi32>, vector<16xi32>], vector<16xf32>,
        %broadcast_in_dim3A_444 = arith.constant 27 : i32
        %broadcast_in_dim3A_445 = vector.broadcast %broadcast_in_dim3A_444 : i32 to vector<16xi32>
        %gather3A_446 = tpu.vector_load_idx %arg8[%add3A_221, %broadcast_in_dim3A_445] : memref<128x32xf32, #tpu.memory_space<vmem>>[vector<16xi32>, vector<16xi32>], vector<16xf32>,
        %broadcast_in_dim3A_447 = arith.constant 28 : i32
        %broadcast_in_dim3A_448 = vector.broadcast %broadcast_in_dim3A_447 : i32 to vector<16xi32>
        %gather3A_449 = tpu.vector_load_idx %arg8[%add3A_221, %broadcast_in_dim3A_448] : memref<128x32xf32, #tpu.memory_space<vmem>>[vector<16xi32>, vector<16xi32>], vector<16xf32>,
        %broadcast_in_dim3A_450 = arith.constant 29 : i32
        %broadcast_in_dim3A_451 = vector.broadcast %broadcast_in_dim3A_450 : i32 to vector<16xi32>
        %gather3A_452 = tpu.vector_load_idx %arg8[%add3A_221, %broadcast_in_dim3A_451] : memref<128x32xf32, #tpu.memory_space<vmem>>[vector<16xi32>, vector<16xi32>], vector<16xf32>,
        %broadcast_in_dim3A_453 = arith.constant 30 : i32
        %broadcast_in_dim3A_454 = vector.broadcast %broadcast_in_dim3A_453 : i32 to vector<16xi32>
        %gather3A_455 = tpu.vector_load_idx %arg8[%add3A_221, %broadcast_in_dim3A_454] : memref<128x32xf32, #tpu.memory_space<vmem>>[vector<16xi32>, vector<16xi32>], vector<16xf32>,
        %broadcast_in_dim3A_456 = arith.constant 31 : i32
        %broadcast_in_dim3A_457 = vector.broadcast %broadcast_in_dim3A_456 : i32 to vector<16xi32>
        %gather3A_458 = tpu.vector_load_idx %arg8[%add3A_221, %broadcast_in_dim3A_457] : memref<128x32xf32, #tpu.memory_space<vmem>>[vector<16xi32>, vector<16xi32>], vector<16xf32>,
        %mul3A_459 = arith.constant 16 : i32
        %mul3A_460 = arith.muli %scan3A_217, %mul3A_459 : i32
        %swap3A_461 = arith.constant 24 : i32
        %swap3A_462 = arith.index_cast %swap3A_461 : i32 to index
        %swap3A_463 = arith.index_cast %mul3A_460 : i32 to index
        %swap3A_464 = tpu.vector_load %arg10[%swap3A_462, %swap3A_463] {strides = array<i32>} : memref<32x128xf32, #tpu.memory_space<vmem>>, vector<16xf32>,
        tpu.vector_store %arg10[%swap3A_462, %swap3A_463], %gather3A_437 {strides = array<i32>} : memref<32x128xf32, #tpu.memory_space<vmem>>, vector<16xf32>,
        %mul3A_465 = arith.constant 16 : i32
        %mul3A_466 = arith.muli %scan3A_217, %mul3A_465 : i32
        %swap3A_467 = arith.constant 25 : i32
        %swap3A_468 = arith.index_cast %swap3A_467 : i32 to index
        %swap3A_469 = arith.index_cast %mul3A_466 : i32 to index
        %swap3A_470 = tpu.vector_load %arg10[%swap3A_468, %swap3A_469] {strides = array<i32>} : memref<32x128xf32, #tpu.memory_space<vmem>>, vector<16xf32>,
        tpu.vector_store %arg10[%swap3A_468, %swap3A_469], %gather3A_440 {strides = array<i32>} : memref<32x128xf32, #tpu.memory_space<vmem>>, vector<16xf32>,
        %mul3A_471 = arith.constant 16 : i32
        %mul3A_472 = arith.muli %scan3A_217, %mul3A_471 : i32
        %swap3A_473 = arith.constant 26 : i32
        %swap3A_474 = arith.index_cast %swap3A_473 : i32 to index
        %swap3A_475 = arith.index_cast %mul3A_472 : i32 to index
        %swap3A_476 = tpu.vector_load %arg10[%swap3A_474, %swap3A_475] {strides = array<i32>} : memref<32x128xf32, #tpu.memory_space<vmem>>, vector<16xf32>,
        tpu.vector_store %arg10[%swap3A_474, %swap3A_475], %gather3A_443 {strides = array<i32>} : memref<32x128xf32, #tpu.memory_space<vmem>>, vector<16xf32>,
        %mul3A_477 = arith.constant 16 : i32
        %mul3A_478 = arith.muli %scan3A_217, %mul3A_477 : i32
        %swap3A_479 = arith.constant 27 : i32
        %swap3A_480 = arith.index_cast %swap3A_479 : i32 to index
        %swap3A_481 = arith.index_cast %mul3A_478 : i32 to index
        %swap3A_482 = tpu.vector_load %arg10[%swap3A_480, %swap3A_481] {strides = array<i32>} : memref<32x128xf32, #tpu.memory_space<vmem>>, vector<16xf32>,
        tpu.vector_store %arg10[%swap3A_480, %swap3A_481], %gather3A_446 {strides = array<i32>} : memref<32x128xf32, #tpu.memory_space<vmem>>, vector<16xf32>,
        %mul3A_483 = arith.constant 16 : i32
        %mul3A_484 = arith.muli %scan3A_217, %mul3A_483 : i32
        %swap3A_485 = arith.constant 28 : i32
        %swap3A_486 = arith.index_cast %swap3A_485 : i32 to index
        %swap3A_487 = arith.index_cast %mul3A_484 : i32 to index
        %swap3A_488 = tpu.vector_load %arg10[%swap3A_486, %swap3A_487] {strides = array<i32>} : memref<32x128xf32, #tpu.memory_space<vmem>>, vector<16xf32>,
        tpu.vector_store %arg10[%swap3A_486, %swap3A_487], %gather3A_449 {strides = array<i32>} : memref<32x128xf32, #tpu.memory_space<vmem>>, vector<16xf32>,
        %mul3A_489 = arith.constant 16 : i32
        %mul3A_490 = arith.muli %scan3A_217, %mul3A_489 : i32
        %swap3A_491 = arith.constant 29 : i32
        %swap3A_492 = arith.index_cast %swap3A_491 : i32 to index
        %swap3A_493 = arith.index_cast %mul3A_490 : i32 to index
        %swap3A_494 = tpu.vector_load %arg10[%swap3A_492, %swap3A_493] {strides = array<i32>} : memref<32x128xf32, #tpu.memory_space<vmem>>, vector<16xf32>,
        tpu.vector_store %arg10[%swap3A_492, %swap3A_493], %gather3A_452 {strides = array<i32>} : memref<32x128xf32, #tpu.memory_space<vmem>>, vector<16xf32>,
        %mul3A_495 = arith.constant 16 : i32
        %mul3A_496 = arith.muli %scan3A_217, %mul3A_495 : i32
        %swap3A_497 = arith.constant 30 : i32
        %swap3A_498 = arith.index_cast %swap3A_497 : i32 to index
        %swap3A_499 = arith.index_cast %mul3A_496 : i32 to index
        %swap3A_500 = tpu.vector_load %arg10[%swap3A_498, %swap3A_499] {strides = array<i32>} : memref<32x128xf32, #tpu.memory_space<vmem>>, vector<16xf32>,
        tpu.vector_store %arg10[%swap3A_498, %swap3A_499], %gather3A_455 {strides = array<i32>} : memref<32x128xf32, #tpu.memory_space<vmem>>, vector<16xf32>,
        %mul3A_501 = arith.constant 16 : i32
        %mul3A_502 = arith.muli %scan3A_217, %mul3A_501 : i32
        %swap3A_503 = arith.constant 31 : i32
        %swap3A_504 = arith.index_cast %swap3A_503 : i32 to index
        %swap3A_505 = arith.index_cast %mul3A_502 : i32 to index
        %swap3A_506 = tpu.vector_load %arg10[%swap3A_504, %swap3A_505] {strides = array<i32>} : memref<32x128xf32, #tpu.memory_space<vmem>>, vector<16xf32>,
        tpu.vector_store %arg10[%swap3A_504, %swap3A_505], %gather3A_458 {strides = array<i32>} : memref<32x128xf32, #tpu.memory_space<vmem>>, vector<16xf32>,
      }
      %scan3A_160 = arith.constant 8 : i32
      %ge3A_161 = arith.constant 1 : i32
      %ge3A_162 = arith.cmpi sge, %scan3A_61, %ge3A_161 : i32
      %convert_element_type3A_163 = arith.extui %ge3A_162 : i1 to i32
      %cond3A_164 = arith.constant 0 : i32
      %cond3A_165 = arith.cmpi ne, %convert_element_type3A_163, %cond3A_164 : i32
      scf.if %cond3A_165 {
        %dma_wait3A_217 = arith.constant 0 : i32
        %dma_wait3A_218 = arith.constant 0 : i32
        %dma_wait3A_219 = arith.constant 0 : i32
        %dma_wait3A_220 = tpu.memref_slice %arg4[%dma_wait3A_217, %dma_wait3A_218, %dma_wait3A_219] : memref<26x32x4096xf32, #tpu.memory_space<hbm>> -> memref<1x32x128xf32, #tpu.memory_space<hbm>>
        %dma_wait3A_221 = tpu.memref_squeeze %dma_wait3A_220 : memref<1x32x128xf32, #tpu.memory_space<hbm>> -> memref<32x128xf32, #tpu.memory_space<hbm>>
        %dma_wait3A_222 = arith.constant 0 : i32
        %dma_wait3A_223 = arith.constant 0 : i32
        %dma_wait3A_224 = tpu.memref_slice %arg4[%dma_wait3A_217, %dma_wait3A_222, %dma_wait3A_223] : memref<26x32x4096xf32, #tpu.memory_space<hbm>> -> memref<1x32x128xf32, #tpu.memory_space<hbm>>
        %dma_wait3A_225 = tpu.memref_squeeze %dma_wait3A_224 : memref<1x32x128xf32, #tpu.memory_space<hbm>> -> memref<32x128xf32, #tpu.memory_space<hbm>>
        tpu.wait_dma2 semaphore(%arg14 : memref<!tpu.dma_semaphore, #tpu.memory_space<semaphore_mem>>) src(%arg10 : memref<32x128xf32, #tpu.memory_space<vmem>>) dst(%dma_wait3A_225 : memref<32x128xf32, #tpu.memory_space<hbm>>)
      } else {
      }
      %mul3A_166 = arith.constant 26 : i32
      %mul3A_167 = arith.muli %add3A, %mul3A_166 : i32
      %add3A_168 = arith.addi %mul3A_167, %add3A_141 : i32
      %jit3A_169 = arith.constant 32 : i32
      %div3A_170 = arith.divsi %add3A_168, %jit3A_169 : i32
      %sign3A_171 = arith.constant 0 : i32
      %sign3A_172 = arith.cmpi sgt, %add3A_168, %sign3A_171 : i32
      %sign3A_173 = arith.extui %sign3A_172 : i1 to i32
      %sign3A_174 = arith.constant 0 : i32
      %sign3A_175 = arith.cmpi slt, %add3A_168, %sign3A_174 : i32
      %sign3A_176 = arith.extui %sign3A_175 : i1 to i32
      %sign3A_177 = arith.subi %sign3A_173, %sign3A_176 : i32
      %sign3A_178 = arith.constant 0 : i32
      %sign3A_179 = arith.cmpi sgt, %jit3A_169, %sign3A_178 : i32
      %sign3A_180 = arith.extui %sign3A_179 : i1 to i32
      %sign3A_181 = arith.constant 0 : i32
      %sign3A_182 = arith.cmpi slt, %jit3A_169, %sign3A_181 : i32
      %sign3A_183 = arith.extui %sign3A_182 : i1 to i32
      %sign3A_184 = arith.subi %sign3A_180, %sign3A_183 : i32
      %ne3A_185 = arith.cmpi ne, %sign3A_177, %sign3A_184 : i32
      %rem3A_186 = arith.remsi %add3A_168, %jit3A_169 : i32
      %ne3A_187 = arith.constant 0 : i32
      %ne3A_188 = arith.cmpi ne, %rem3A_186, %ne3A_187 : i32
      %and3A_189 = arith.andi %ne3A_185, %ne3A_188 : i1
      %sub3A_190 = arith.constant 1 : i32
      %sub3A_191 = arith.subi %div3A_170, %sub3A_190 : i32
      %select_n3A_192 = arith.select %and3A_189, %sub3A_191, %div3A_170 : i32
      %jit3A_193 = arith.constant 32 : i32
      %eq3A_194 = arith.constant 0 : i32
      %eq3A_195 = arith.cmpi eq, %jit3A_193, %eq3A_194 : i32
      %jit3A_196 = arith.constant 1 : i32
      %select_n3A_197 = arith.select %eq3A_195, %jit3A_196, %jit3A_193 : i32
      %rem3A_198 = arith.remsi %add3A_168, %select_n3A_197 : i32
      %ne3A_199 = arith.constant 0 : i32
      %ne3A_200 = arith.cmpi ne, %rem3A_198, %ne3A_199 : i32
      %lt3A_201 = arith.constant 0 : i32
      %lt3A_202 = arith.cmpi slt, %rem3A_198, %lt3A_201 : i32
      %lt3A_203 = arith.constant 0 : i32
      %lt3A_204 = arith.cmpi slt, %select_n3A_197, %lt3A_203 : i32
      %ne3A_205 = arith.xori %lt3A_202, %lt3A_204 : i1
      %and3A_206 = arith.andi %ne3A_205, %ne3A_200 : i1
      %add3A_207 = arith.addi %rem3A_198, %select_n3A_197 : i32
      %select_n3A_208 = arith.select %and3A_206, %add3A_207, %rem3A_198 : i32
      %mul3A_209 = arith.constant 128 : i32
      %mul3A_210 = arith.muli %select_n3A_208, %mul3A_209 : i32
      %dma_start3A_211 = arith.constant 0 : i32
      %dma_start3A_212 = tpu.memref_slice %arg4[%select_n3A_192, %dma_start3A_211, %mul3A_210] : memref<26x32x4096xf32, #tpu.memory_space<hbm>> -> memref<1x32x128xf32, #tpu.memory_space<hbm>>
      %dma_start3A_213 = tpu.memref_squeeze %dma_start3A_212 : memref<1x32x128xf32, #tpu.memory_space<hbm>> -> memref<32x128xf32, #tpu.memory_space<hbm>>
      %dma_start3A_214 = arith.constant 0 : i32
      %dma_start3A_215 = tpu.memref_slice %arg4[%select_n3A_192, %dma_start3A_214, %mul3A_210] : memref<26x32x4096xf32, #tpu.memory_space<hbm>> -> memref<1x32x128xf32, #tpu.memory_space<hbm>>
      %dma_start3A_216 = tpu.memref_squeeze %dma_start3A_215 : memref<1x32x128xf32, #tpu.memory_space<hbm>> -> memref<32x128xf32, #tpu.memory_space<hbm>>
      tpu.enqueue_dma source(%arg10 : memref<32x128xf32, #tpu.memory_space<vmem>>) target(%dma_start3A_216 : memref<32x128xf32, #tpu.memory_space<hbm>>) target_semaphore(%arg14 : memref<!tpu.dma_semaphore, #tpu.memory_space<semaphore_mem>>)
    }
    %scan3A_43 = arith.constant 13 : i32
    %dma_wait3A = arith.constant 0 : i32
    %dma_wait3A_44 = arith.constant 0 : i32
    %dma_wait3A_45 = arith.constant 0 : i32
    %dma_wait3A_46 = tpu.memref_slice %arg4[%dma_wait3A, %dma_wait3A_44, %dma_wait3A_45] : memref<26x32x4096xf32, #tpu.memory_space<hbm>> -> memref<1x32x128xf32, #tpu.memory_space<hbm>>
    %dma_wait3A_47 = tpu.memref_squeeze %dma_wait3A_46 : memref<1x32x128xf32, #tpu.memory_space<hbm>> -> memref<32x128xf32, #tpu.memory_space<hbm>>
    %dma_wait3A_48 = arith.constant 0 : i32
    %dma_wait3A_49 = arith.constant 0 : i32
    %dma_wait3A_50 = tpu.memref_slice %arg4[%dma_wait3A, %dma_wait3A_48, %dma_wait3A_49] : memref<26x32x4096xf32, #tpu.memory_space<hbm>> -> memref<1x32x128xf32, #tpu.memory_space<hbm>>
    %dma_wait3A_51 = tpu.memref_squeeze %dma_wait3A_50 : memref<1x32x128xf32, #tpu.memory_space<hbm>> -> memref<32x128xf32, #tpu.memory_space<hbm>>
    tpu.wait_dma2 semaphore(%arg13 : memref<!tpu.dma_semaphore, #tpu.memory_space<semaphore_mem>>) src(%arg9 : memref<32x128xf32, #tpu.memory_space<vmem>>) dst(%dma_wait3A_51 : memref<32x128xf32, #tpu.memory_space<hbm>>)
    %dma_wait3A_52 = arith.constant 0 : i32
    %dma_wait3A_53 = arith.constant 0 : i32
    %dma_wait3A_54 = arith.constant 0 : i32
    %dma_wait3A_55 = tpu.memref_slice %arg4[%dma_wait3A_52, %dma_wait3A_53, %dma_wait3A_54] : memref<26x32x4096xf32, #tpu.memory_space<hbm>> -> memref<1x32x128xf32, #tpu.memory_space<hbm>>
    %dma_wait3A_56 = tpu.memref_squeeze %dma_wait3A_55 : memref<1x32x128xf32, #tpu.memory_space<hbm>> -> memref<32x128xf32, #tpu.memory_space<hbm>>
    %dma_wait3A_57 = arith.constant 0 : i32
    %dma_wait3A_58 = arith.constant 0 : i32
    %dma_wait3A_59 = tpu.memref_slice %arg4[%dma_wait3A_52, %dma_wait3A_57, %dma_wait3A_58] : memref<26x32x4096xf32, #tpu.memory_space<hbm>> -> memref<1x32x128xf32, #tpu.memory_space<hbm>>
    %dma_wait3A_60 = tpu.memref_squeeze %dma_wait3A_59 : memref<1x32x128xf32, #tpu.memory_space<hbm>> -> memref<32x128xf32, #tpu.memory_space<hbm>>
    tpu.wait_dma2 semaphore(%arg14 : memref<!tpu.dma_semaphore, #tpu.memory_space<semaphore_mem>>) src(%arg10 : memref<32x128xf32, #tpu.memory_space<vmem>>) dst(%dma_wait3A_60 : memref<32x128xf32, #tpu.memory_space<hbm>>)
    return
  }
}

</mosaic_0001>

<sc_bundles>
// kernel: kernel.3.cloned.1.call-start
scs
__scs_entry_jumppad:
0x0: {  	(pc) =	sbr.rel $0x88, $3  }
0x1: {  	(tag) =	ssettag $0x0;
	lr =	simm.s32 $0x1  }
0x2: {  	[smem:$0x3F9E] =	sst lr;
	_ =	strace $0xD0000000  }
0x3: {  	_ = 	snop  }
0x4: {  	_ = 	snop  }
0x5: {  	_ = 	snop  }
0x6: {  	_ = 	snop  }
0x7: {  	_ = 	snop  }
__scs_overlays_trampoline_lowered:
0x8: {  	[smem:$0x3FAD] =	sst s0  }
0x9: {  	[smem:$0x3FAE] =	sst s1  }
0xa: {  	[smem:$0x3FAF] =	sst s2  }
0xb: {  	[smem:$0x3FB0] =	sst s3  }
0xc: {  	[smem:$0x3FB1] =	sst s4  }
0xd: {  	[smem:$0x3FB2] =	sst s5  }
0xe: {  	[smem:$0x3FB3] =	sst s6  }
0xf: {  	[smem:$0x3FB4] =	sst s7  }
0x10: {  	[smem:$0x3FB5] =	sst s8  }
0x11: {  	[smem:$0x3FB6] =	sst s9;
	s0 =	simm.s32 @!p0 $0x0  }
0x12: {  	s1 =	sld [smem:$0x3F9C];
	s0 =	simm.s32 @p0 $0x1  }
0x13: {  	[smem:$0x3FB7] =	sst s0;
	s0 =	simm.s32 @!p1 $0x0  }
0x14: {  	s2 =	sld [smem:$0x3F9B];
	s0 =	simm.s32 @p1 $0x1  }
0x15: {  	[smem:$0x3FB8] =	sst s0;
	s0 =	simm.s32 @!p2 $0x0  }
0x16: {  	s3 =	sld [smem:$0x3FDB];
	s0 =	simm.s32 @p2 $0x1  }
0x17: {  	s4 =	simm.s32 $0x1BF5;
	[smem:$0x3FBA] =	sst s0  }
0x18: {  	s0 =	sld [smem:$0x3F9D];
	_ =	swait.ge [sflag:s4], $0x0  }
0x19: {  	s7 =	sld [smem:$0x3F9E]  }
0x1a: {  	s8 =	sadd.s32 $0xFFFFE003, lr  }
0x1b: {  	s9 =	sadd.s32 $0xFFFFFEF7, lr;
	s5 =	simm.s32 $0xFFFFFFFF;
	p2 =	slt.u32 s8, $0xFFFFF086  }
0x1c: {  	p1 =	slt.u32 s9, $0xF7A;
	s5 =	simm.s32 @!p2 $0x0  }
0x1d: {  	s5 =	simm.s32 @p1 $0x1;
	p0 =	seq.s32 s7, s2  }
0x1e: {  	s7 =	smul.u32 @!p0 $0xF7A, s2;
	p2 =	seq.s32 @!p0 s5, $0x0  }
0x1f: {  	s9 =	smul.u32 $0xF7A, s1;
	s8 =	simm.s32 @!p0 $0x1BF5;
	p2 =	por !p2, p0  }
0x20: {  	[sflag:s8] =	ssyncset.s32 @!p0 $0xFFFFF086;
	s6 =	sadd.s32 @!p0 s3, s7;
	s7 =	simm.s32 @!p0 $0x108  }
0x21: {  	s3 =	sadd.s32 s3, s9;
	s6 =	sadd.s32 @!p0 $0x88, s6;
	s7 =	simm.s32 @p2 $0x1082  }
0x22: {  	[simem:s7], [sflag:s8] =	dma.local @!p0 [hbm:s6], $0xF7A  }
0x23: {  	s9 =	sor.u32 $0xD0000000, s2;
	s6 =	simm.s32 $0x108;
	_ =	swait.ge @!p0 [sflag:s8], $0x0  }
0x24: {  	s3 =	sadd.s32 $0x88, s3;
	s6 =	simm.s32 @!p1 $0x1082;
	[sflag:s4] =	ssyncset.s32 $0xFFFFF086  }
0x25: {  	[simem:s6], [sflag:s4] =	dma.local [hbm:s3], $0xF7A  }
0x26: {  	[smem:$0x3F9E] =	sst s1;
	(tag) =	ssettag s2;
	_ =	strace s9  }
0x27: {  	s1 =	sld [smem:$0x3FAE]  }
0x28: {  	s2 =	sld [smem:$0x3FAF]  }
0x29: {  	s4 =	sld [smem:$0x3FB1]  }
0x2a: {  	p0 =	seq.s32 s5, $0x0;
	s5 =	sld [smem:$0x3FB2]  }
0x2b: {  	s6 =	sld [smem:$0x3FB3]  }
0x2c: {  	s7 =	sld [smem:$0x3FB4]  }
0x2d: {  	s3 =	simm.s32 $0x108;
	s8 =	sld [smem:$0x3FB5]  }
0x2e: {  	s3 =	simm.s32 @!p0 $0x1082;
	s9 =	sld [smem:$0x3FB6]  }
0x2f: {  	lr =	sadd.s32 s0, s3;
	s0 =	sld [smem:$0x3FAD]  }
0x30: {  	s3 =	sld [smem:$0x3FB0]  }
0x31: {  	[smem:$0x3FB9] =	sst s10  }
0x32: {  	s10 =	sld [smem:$0x3FB7];
	_ =	sdelay $0x3  }
0x33: {  	p0 =	seq.s32 s10, $0x1;
	s10 =	sld [smem:$0x3FB9];
	_ =	sdelay $0x3  }
0x34: {  	[smem:$0x3FB9] =	sst s10  }
0x35: {  	s10 =	sld [smem:$0x3FB8];
	_ =	sdelay $0x3  }
0x36: {  	p1 =	seq.s32 s10, $0x1;
	s10 =	sld [smem:$0x3FB9];
	_ =	sdelay $0x3  }
0x37: {  	[smem:$0x3FB9] =	sst s10  }
0x38: {  	s10 =	sld [smem:$0x3FBA]  }
0x39: {  	_ = 	snop;
	(pc) =	sbr.ind lr, $3  }
0x3a: {  	_ = 	snop  }
0x3b: {  	_ = 	snop  }
0x3c: {  	p2 =	seq.s32 s10, $0x1;
	s10 =	sld [smem:$0x3FB9]  }
0x3d: {  	_ =	shalt  }
0x3e: {  	_ =	shalt  }
0x3f: {  	_ =	shalt  }
0x40: {  	_ =	shalt  }
0x41: {  	_ =	shalt  }
0x42: {  	_ =	shalt  }
0x43: {  	_ =	shalt  }
0x44: {  	_ =	shalt  }
0x45: {  	_ =	shalt  }
0x46: {  	_ =	shalt  }
0x47: {  	_ =	shalt  }
0x48: {  	_ =	shalt  }
0x49: {  	_ =	shalt  }
0x4a: {  	_ =	shalt  }
0x4b: {  	_ =	shalt  }
0x4c: {  	_ =	shalt  }
0x4d: {  	_ =	shalt  }
0x4e: {  	_ =	shalt  }
0x4f: {  	_ =	shalt  }
0x50: {  	_ =	shalt  }
0x51: {  	_ =	shalt  }
0x52: {  	_ =	shalt  }
0x53: {  	_ =	shalt  }
0x54: {  	_ =	shalt  }
0x55: {  	_ =	shalt  }
0x56: {  	_ =	shalt  }
0x57: {  	_ =	shalt  }
0x58: {  	_ =	shalt  }
0x59: {  	_ =	shalt  }
0x5a: {  	_ =	shalt  }
0x5b: {  	_ =	shalt  }
0x5c: {  	_ =	shalt  }
0x5d: {  	_ =	shalt  }
0x5e: {  	_ =	shalt  }
0x5f: {  	_ =	shalt  }
0x60: {  	_ =	shalt  }
0x61: {  	_ =	shalt  }
0x62: {  	_ =	shalt  }
0x63: {  	_ =	shalt  }
0x64: {  	_ =	shalt  }
0x65: {  	_ =	shalt  }
0x66: {  	_ =	shalt  }
0x67: {  	_ =	shalt  }
0x68: {  	_ =	shalt  }
0x69: {  	_ =	shalt  }
0x6a: {  	_ =	shalt  }
0x6b: {  	_ =	shalt  }
0x6c: {  	_ =	shalt  }
0x6d: {  	_ =	shalt  }
0x6e: {  	_ =	shalt  }
0x6f: {  	_ =	shalt  }
0x70: {  	_ =	shalt  }
0x71: {  	_ =	shalt  }
0x72: {  	_ =	shalt  }
0x73: {  	_ =	shalt  }
0x74: {  	_ =	shalt  }
0x75: {  	_ =	shalt  }
0x76: {  	_ =	shalt  }
0x77: {  	_ =	shalt  }
0x78: {  	_ =	shalt  }
0x79: {  	_ =	shalt  }
0x7a: {  	_ =	shalt  }
0x7b: {  	_ =	shalt  }
0x7c: {  	_ =	shalt  }
0x7d: {  	_ =	shalt  }
0x7e: {  	_ =	shalt  }
0x7f: {  	_ =	shalt  }
0x80: {  	_ =	shalt  }
0x81: {  	_ =	shalt  }
0x82: {  	_ =	shalt  }
0x83: {  	_ =	shalt  }
0x84: {  	_ =	shalt  }
0x85: {  	_ =	shalt  }
0x86: {  	_ =	shalt  }
0x87: {  	_ =	shalt  }
.Lfunc_end0:
.L_simem_size_0:
called_computation_lowered:
.L_overlay_start_0:
0x88: {  	s2 =	sld [smem:$0x3FD9]  }
0x89: {  	s3 =	sld [smem:$0x3FFE];
	_ =	sdelay $0x1  }
0x8a: {  	s1 =	srdreg.scid  }
0x8b: {  	s0 =	sand.u32 $0x1, s1  }
0x8c: {  	s14 =	sshll.u32 s0, $0xA;
	s2 =	sadd.s32 s3, s2  }
0x8d: {  	s2 =	sadd.s32 s2, s14  }
0x8e: {  	[smem:$0x3FC5] =	sst s2  }
0x8f: {  	_ = 	snop  }
0x90: {  	s2 =	sld [smem:$0x3FD0];
	_ =	sdelay $0x2  }
0x91: {  	s15 =	simm.s32 $0xA;
	s4 =	simm.s32 $0x10  }
0x92: {  	[smem:s4], [sflag:s15] =	dma.local [hbm:s2], $0x1  }
0x93: {  	_ =	swait.eq [sflag:s15], $0x1  }
0x94: {  	[sflag:s15] =	ssyncset.done $0x0  }
0x95: {  	[sflag:s15] =	ssyncadd.s32 $0xFFFFFFFF  }
0x96: {  	s16 =	sld [smem:$0x10];
	(tm) =	ssettm $0x1  }
0x97: {  	s17 =	sld [smem:$0x3FFB];
	_ =	sdelay $0x3  }
0x98: {  	_ =	strace s17  }
0x99: {  	s3 =	sld [smem:$0x3FFC];
	_ =	sdelay $0x3  }
0x9a: {  	_ =	strace s3  }
0x9b: {  	s3 =	sld [smem:$0x3FFD];
	_ =	sdelay $0x3  }
0x9c: {  	_ =	strace s3  }
0x9d: {  	_ =	strace $0x8FFFFFFF  }
0x9e: {  	s18 =	sld [smem:$0x3FDB];
	_ =	sdelay $0x1  }
0x9f: {  	s19 =	simm.s32 $_scs_section_size  }
0xa0: {  	s5 =	simm.s32 $_size__tile_overlayer_lowered;
	s6 =	simm.s32 $_tile_overlayer_lowered  }
0xa1: {  	s22 =	simm.s32 $0x1BFF;
	s21 =	sshll.u32 s6, $0x1;
	s3 =	sadd.s32 s19, s18  }
0xa2: {  	s7 =	simm.s32 $0x0;
	s20 =	sshll.u32 s5, $0x1;
	s5 =	sadd.s32 s21, s3  }
0xa3: {  	[timem:s7], [sflag:s22] =	dma.local [hbm:s5], s20  }
0xa4: {  	_ =	swait.ge [sflag:s22], s20  }
0xa5: {  	s4 =	ssub.s32 $0x0, s20;
	[sflag:s22] =	ssyncset.done $0x0  }
0xa6: {  	[sflag:s22] =	ssyncadd.s32 s4;
	_ =	sdelay $0x1  }
0xa7: {  	s23 =	simm.s32 $0x1B8B  }
0xa8: {  	_ =	swait.ge [sflag:s23], $0x1  }
0xa9: {  	[sflag:s23] =	ssyncset.done $0x0  }
0xaa: {  	s25 =	simm.s32 $0x1B8E;
	s24 =	sld [smem:$0x3FFE];
	[sflag:s23] =	ssyncadd.s32 $0xFFFFFFFF  }
0xab: {  	s26 =	simm.s32 $execute0_lowered;
	[smem:$0x3FD2] =	sst s25  }
0xac: {  	s5 =	sshll.u32 s26, $0x1;
	_ =	strace $0x80000046;
	[dreg:$0x1] =	wrdreg $0xFFFFFFFF  }
0xad: {  	s28 =	simm.s32 $_size_execute0_lowered;
	s3 =	sadd.s32 s3, s5;
	[dreg:$0x0] =	wrdreg $0x0  }
0xae: {  	s5 =	sshll.u32 s28, $0x1;
	[dreg:$0x2] =	wrdreg s3  }
0xaf: {  	[dreg:$0x3] =	wrdreg s5  }
0xb0: {  	[dreg:$0x4] =	wrdreg $0xC0  }
0xb1: {  	_ =	task [dreg:s7], $0x5FFFF  }
0xb2: {  	[dreg:$0x1] =	wrdreg $0xFFFFFFFF  }
0xb3: {  	[dreg:$0x0] =	wrdreg $0x60  }
0xb4: {  	[dreg:$0x2] =	wrdreg s24  }
0xb5: {  	[dreg:$0x3] =	wrdreg s16  }
0xb6: {  	[dreg:$0x4] =	wrdreg $0x9  }
0xb7: {  	_ =	task.clear_ibuf [dreg:s7], $0x5FFFF;
	_ =	strace $0x90000046  }
0xb8: {  	s29 =	simm.s32 $0x9;
	_ =	strace $0x80000048  }
0xb9: {  	_ =	swait.ge [sflag:s29], $0x1  }
0xba: {  	[sflag:s29] =	ssyncadd.s32 $0xFFFFFFFF  }
0xbb: {  	_ =	strace $0x90000048  }
0xbc: {  	_ =	sfence  }
0xbd: {  	s30 =	sld [smem:$0x0];
	_ =	sdelay $0x2  }
0xbe: {  	s31 =	sshll.u32 s1, $0xD;
	s1 =	sshrl.u32 s1, $0x2  }
0xbf: {  	s3 =	sand.u32 $0x4000, s31;
	s1 =	sadd.s32 s1, s30  }
0xc0: {  	s0 =	sor.u32 s3, s0;
	s1 =	sshll.u32 s1, $0x11  }
0xc1: {  	s0 =	sor.u32 s1, s0  }
0xc2: {  	s0 =	sadd.s32 $0x8F2B, s0  }
0xc3: {  	[sflag:s0] =	ssyncadd.remote.s32 $0x1  }
0xc4: {  	_ =	sfence.sel $0xFFFF  }
0xc5: {  	[dreg:$0x0] =	wrdreg $0xFFFFFFFF;
	(pc) =	sbr.abs _section_cstart, $3  }
0xc6: {  	[dreg:$0x1] =	wrdreg $0xFFFFFFFF  }
0xc7: {  	_ =	task.clear_ibuf [dreg:s7], $0x2FFFF;
	_ =	strace $0x9FFFFFFF  }
0xc8: {  	(tm) =	ssettm $0x7FFFFFFF  }
0xc9: {  	_ =	shalt  }
tec
execute0_lowered:
.L_overlay_start_1:
0x0: {  	(tag) =	ssettag $0x1  }
0x1: {  	s6 =	rddreg [dreg:$0x0]  }
0x2: {  	s1 =	srdreg.scid;
	s0 =	stileid.u32  }
0x3: {  	s2 =	rddreg [dreg:$0x1];
	s3 =	simm.s32 $0x0;
	s11 =	simm.s32 $0x80  }
0x4: {  	s12 =	simm.s32 $0x100;
	s13 =	simm.s32 $0x1100;
	s14 =	simm.s32 $0x1  }
0x5: {  	s15 =	simm.s32 $0x1000;
	s16 =	simm.s32 $0x2100;
	s17 =	simm.s32 $0x2  }
0x6: {  	s18 =	simm.s32 $0x3100;
	s19 =	simm.s32 $0x3;
	s20 =	simm.s32 $0x4  }
0x7: {  	s4 =	sand.u32 $0x1, s1;
	s5 =	sshll.u32 s0, $0x1;
	s1 =	rddreg [dreg:$0x2]  }
0x8: {  	s21 =	simm.s32 $0x0;
	[smem:$0x7FF] =	sst s3;
	s5 =	sor.u32 s4, s5  }
0x9: {  	s7 =	ssub.s32 $0x2, s4;
	_ =	strace $0x80000047;
	s9 =	smul.u32 $0x1A0, s5  }
0xa: {  	s4 =	smul.u32 $0x1A, s5;
	s8 =	sshrl.u32 s7, $0x1;
	s5 =	sadd.s32 $0xF42C00, s6  }
0xb: {  	v0 =	vlaneseq.u32;
	s6 =	sadd.s32 $0x600, s6;
	s10 =	ssub.s32 s7, s8;
	s7 =	sadd.s32 s2, s9  }
0xc: {  	v0 =	vmul.u32 $0x20, v0;
	s8 =	sadd.s32 $0x2, s4;
	s9 =	smax.u32 s10, $0x1;
	s10 =	simm.s32 $0x5  }
.LBB2_1:
0xd: {  	[tilespmem:s3], [sflag:$0x5] =	stream.linear.gather [hbm4b:s7+s3], $0x80, $0x38;
	[tilespmem:$0x4100] =	vst v63  }
0xe: {  	_ =	swait.ge [sflag:s10], $0x80  }
0xf: {  	[sflag:s10] =	ssyncset.done $0x0  }
0x10: {  	s22 =	simm.s32 $0x0;
	[sflag:s10] =	ssyncadd.s32 $0xFFFFFF80  }
0x11: {  	[tilespmem:s12], [sflag:$0x1] =	stream.indirect.gather [hbm4b:s5+s11], $0x20, s3, s11, $0xb8;
	[tilespmem:$0x4100] =	vst v63  }
.LBB2_2:
0x12: {  	s25 =	sshll.u32 s22, $0x1  }
0x13: {  	s23 =	sadd.s32 s25, s4  }
0x14: {  	s23 =	sadd.s32 $0x1, s23  }
0x15: {  	s24 =	sshll.u32 s23, $0x4  }
0x16: {  	s26 =	sand.u32 $0xFFFFFF0, s24  }
0x17: {  	s28 =	sadd.s32 s2, s26;
	s26 =	simm.s32 $0x0  }
0x18: {  	[tilespmem:s11], [sflag:$0x5] =	stream.linear.gather [hbm4b:s28+s26], $0x80, $0x38;
	[tilespmem:$0x4100] =	vst v63  }
0x19: {  	_ =	swait.ge [sflag:s10], $0x80  }
0x1a: {  	[sflag:s10] =	ssyncset.done $0x0  }
0x1b: {  	[sflag:s10] =	ssyncadd.s32 $0xFFFFFF80  }
0x1c: {  	[tilespmem:s13], [sflag:$0x2] =	stream.indirect.gather [hbm4b:s5+s11], $0x20, s11, s11, $0xb8;
	[tilespmem:$0x4100] =	vst v63  }
0x1d: {  	_ =	swait.ge [sflag:s14], $0x1000  }
0x1e: {  	[sflag:s14] =	ssyncset.done $0x0  }
0x1f: {  	s28 =	simm.s32 $0x2900;
	[sflag:s14] =	ssyncadd.s32 $0xFFFFF000  }
.LBB2_3:
0x20: {  	v1 =	vmov s26  }
0x21: {  	v1 =	vshll.u32 v1, $0x5  }
0x22: {  	v1 =	vor.u32 v0, v1  }
0x23: {  	v2 =	vor.u32 $0x1, v1  }
0x24: {  	v3 =	vor.u32 $0x2, v1  }
0x25: {  	v4 =	vor.u32 $0x3, v1  }
0x26: {  	v5 =	vor.u32 $0x4, v1  }
0x27: {  	v7 =	vor.u32 $0x5, v1;
	v6 =	vld.idx.msk [tilespmem:v1+s12+$0x0], $0xffff  }
0x28: {  	v8 =	vor.u32 $0x6, v1;
	v2 =	vld.idx.msk [tilespmem:v2+s12+$0x0], $0xffff  }
0x29: {  	v9 =	vor.u32 $0x7, v1;
	v3 =	vld.idx.msk [tilespmem:v3+s12+$0x0], $0xffff  }
0x2a: {  	v4 =	vld.idx.msk [tilespmem:v4+s12+$0x0], $0xffff  }
0x2b: {  	v5 =	vld.idx.msk [tilespmem:v5+s12+$0x0], $0xffff  }
0x2c: {  	v7 =	vld.idx.msk [tilespmem:v7+s12+$0x0], $0xffff  }
0x2d: {  	v8 =	vld.idx.msk [tilespmem:v8+s12+$0x0], $0xffff  }
0x2e: {  	v9 =	vld.idx.msk [tilespmem:v9+s12+$0x0], $0xffff;
	[tilespmem:s28+$0xFFFFF800] =	vst v6  }
0x2f: {  	[tilespmem:s28+$0xFFFFF880] =	vst v2  }
0x30: {  	[tilespmem:s28+$0xFFFFF900] =	vst v3  }
0x31: {  	v47 =	vor.u32 $0xA, v1;
	[tilespmem:s28+$0xFFFFF980] =	vst v4  }
0x32: {  	v48 =	vor.u32 $0xB, v1;
	[tilespmem:s28+$0xFFFFFA00] =	vst v5  }
0x33: {  	v49 =	vor.u32 $0xC, v1;
	[tilespmem:s28+$0xFFFFFA80] =	vst v7  }
0x34: {  	v50 =	vor.u32 $0xD, v1;
	[tilespmem:s28+$0xFFFFFB00] =	vst v8  }
0x35: {  	v51 =	vor.u32 $0xE, v1;
	[tilespmem:s28+$0xFFFFFB80] =	vst v9  }
0x36: {  	v52 =	vor.u32 $0xF, v1;
	v4 =	vld.idx.msk [tilespmem:v47+s12+$0x0], $0xffff  }
0x37: {  	v2 =	vor.u32 $0x8, v1;
	v5 =	vld.idx.msk [tilespmem:v48+s12+$0x0], $0xffff  }
0x38: {  	v3 =	vor.u32 $0x9, v1;
	v6 =	vld.idx.msk [tilespmem:v49+s12+$0x0], $0xffff  }
0x39: {  	v7 =	vld.idx.msk [tilespmem:v50+s12+$0x0], $0xffff  }
0x3a: {  	v8 =	vld.idx.msk [tilespmem:v51+s12+$0x0], $0xffff  }
0x3b: {  	v9 =	vld.idx.msk [tilespmem:v52+s12+$0x0], $0xffff  }
0x3c: {  	v2 =	vld.idx.msk [tilespmem:v2+s12+$0x0], $0xffff  }
0x3d: {  	v3 =	vld.idx.msk [tilespmem:v3+s12+$0x0], $0xffff;
	[tilespmem:s28+$0xFFFFFD00] =	vst v4  }
0x3e: {  	[tilespmem:s28+$0xFFFFFD80] =	vst v5  }
0x3f: {  	[tilespmem:s28+$0xFFFFFE00] =	vst v6  }
0x40: {  	v53 =	vor.u32 $0x12, v1;
	[tilespmem:s28+$0xFFFFFE80] =	vst v7  }
0x41: {  	v54 =	vor.u32 $0x13, v1;
	[tilespmem:s28+$0xFFFFFF00] =	vst v8  }
0x42: {  	v55 =	vor.u32 $0x14, v1;
	[tilespmem:s28+$0xFFFFFF80] =	vst v9  }
0x43: {  	v56 =	vor.u32 $0x15, v1;
	[tilespmem:s28+$0xFFFFFC00] =	vst v2  }
0x44: {  	v57 =	vor.u32 $0x16, v1;
	[tilespmem:s28+$0xFFFFFC80] =	vst v3  }
0x45: {  	v58 =	vor.u32 $0x17, v1;
	v4 =	vld.idx.msk [tilespmem:v53+s12+$0x0], $0xffff  }
0x46: {  	v2 =	vor.u32 $0x10, v1;
	v5 =	vld.idx.msk [tilespmem:v54+s12+$0x0], $0xffff  }
0x47: {  	v3 =	vor.u32 $0x11, v1;
	v6 =	vld.idx.msk [tilespmem:v55+s12+$0x0], $0xffff  }
0x48: {  	v7 =	vld.idx.msk [tilespmem:v56+s12+$0x0], $0xffff  }
0x49: {  	v8 =	vld.idx.msk [tilespmem:v57+s12+$0x0], $0xffff  }
0x4a: {  	v9 =	vld.idx.msk [tilespmem:v58+s12+$0x0], $0xffff  }
0x4b: {  	v2 =	vld.idx.msk [tilespmem:v2+s12+$0x0], $0xffff  }
0x4c: {  	v3 =	vld.idx.msk [tilespmem:v3+s12+$0x0], $0xffff;
	[tilespmem:s28+$0x100] =	vst v4  }
0x4d: {  	[tilespmem:s28+$0x180] =	vst v5  }
0x4e: {  	[tilespmem:s28+$0x200] =	vst v6  }
0x4f: {  	v59 =	vor.u32 $0x1A, v1;
	[tilespmem:s28+$0x280] =	vst v7  }
0x50: {  	v60 =	vor.u32 $0x1B, v1;
	[tilespmem:s28+$0x300] =	vst v8  }
0x51: {  	v61 =	vor.u32 $0x1C, v1;
	[tilespmem:s28+$0x380] =	vst v9  }
0x52: {  	v62 =	vor.u32 $0x1D, v1;
	[tilespmem:s28+$0x0] =	vst v2  }
0x53: {  	v63 =	vor.u32 $0x1E, v1;
	[tilespmem:s28+$0x80] =	vst v3  }
0x54: {  	v2 =	vor.u32 $0x18, v1;
	v4 =	vld.idx.msk [tilespmem:v59+s12+$0x0], $0xffff  }
0x55: {  	v3 =	vor.u32 $0x19, v1;
	v5 =	vld.idx.msk [tilespmem:v60+s12+$0x0], $0xffff  }
0x56: {  	v1 =	vor.u32 $0x1F, v1;
	v6 =	vld.idx.msk [tilespmem:v61+s12+$0x0], $0xffff  }
0x57: {  	v7 =	vld.idx.msk [tilespmem:v62+s12+$0x0], $0xffff  }
0x58: {  	v8 =	vld.idx.msk [tilespmem:v63+s12+$0x0], $0xffff  }
0x59: {  	v2 =	vld.idx.msk [tilespmem:v2+s12+$0x0], $0xffff  }
0x5a: {  	v3 =	vld.idx.msk [tilespmem:v3+s12+$0x0], $0xffff  }
0x5b: {  	v1 =	vld.idx.msk [tilespmem:v1+s12+$0x0], $0xffff;
	[tilespmem:s28+$0x500] =	vst v4  }
0x5c: {  	[tilespmem:s28+$0x580] =	vst v5  }
0x5d: {  	p0 =	sne.s32 s26, $0x70;
	[tilespmem:s28+$0x600] =	vst v6  }
.Ltmp0:
0x5e: {  	[tilespmem:s28+$0x680] =	vst v7;
	(pc) =	sbr.rel @p0 .LBB2_3-.Ltmp0, $4  }
0x5f: {  	[tilespmem:s28+$0x700] =	vst v8  }
0x60: {  	[tilespmem:s28+$0x400] =	vst v2  }
0x61: {  	[tilespmem:s28+$0x480] =	vst v3  }
0x62: {  	s26 =	sadd.s32 $0x10, s26;
	[tilespmem:s28+$0x780] =	vst v1;
	s28 =	sadd.s32 $0x10, s28  }
0x63: {  	p0 =	seq.s32 s22, $0x0  }
0x64: {  	s26 =	sadd.s32 s4, s25;
	p1 =	seq.s32 s22, $0xC;
	s28 =	simm.s32 @!p0 $0x3  }
0x65: {  	s29 =	sshll.u32 s26, $0x4;
	s26 =	sshll.u32 s26, $0x9;
	s25 =	sadd.s32 @!p1 s25, s8  }
0x66: {  	_ =	swait.ge @!p0 [sflag:s28], $0x1000;
	s29 =	sand.u32 $0x1E0, s29;
	s26 =	sand.u32 $0xFFFC000, s26  }
0x67: {  	s25 =	sshll.u32 @!p1 s25, $0x4;
	[sflag:s28] =	ssyncset.done @!p0 $0x0;
	s29 =	sadd.s32 s6, s29  }
0x68: {  	s25 =	sand.u32 @!p1 $0xFFFFFE0, s25;
	[sflag:s28] =	ssyncadd.s32 @!p0 $0xFFFFF000;
	s26 =	sadd.s32 s26, s29  }
0x69: {  	[hbm4b:s26+s11] =	stream.strided.scatter [tilespmem:s16], [sflag:$0x3], $0x1000, s15, s11, $0x38;
	[tilespmem:$0x4100] =	vst v63  }
0x6a: {  	s25 =	sadd.s32 @!p1 s2, s25;
	s26 =	simm.s32 @!p1 $0x0  }
0x6b: {  	[tilespmem:s26], [sflag:$0x5] =	stream.linear.gather @!p1 [hbm4b:s25+s26], $0x80, $0x38;
	[tilespmem:$0x4100] =	vst v63  }
0x6c: {  	s25 =	simm.s32 @!p1 $0x5  }
0x6d: {  	_ =	swait.ge @!p1 [sflag:s25], $0x80  }
0x6e: {  	[sflag:s25] =	ssyncset.done @!p1 $0x0  }
0x6f: {  	s28 =	simm.s32 @!p1 $0x100;
	[sflag:s25] =	ssyncadd.s32 @!p1 $0xFFFFFF80;
	s25 =	simm.s32 @!p1 $0x80  }
0x70: {  	[tilespmem:s28], [sflag:$0x1] =	stream.indirect.gather @!p1 [hbm4b:s5+s25], $0x20, s26, s25, $0xb8;
	[tilespmem:$0x4100] =	vst v63  }
0x71: {  	_ =	swait.ge [sflag:s17], $0x1000  }
0x72: {  	s24 =	sand.u32 $0x1F0, s24;
	[sflag:s17] =	ssyncset.done $0x0  }
0x73: {  	s25 =	simm.s32 $0x0;
	s26 =	simm.s32 $0x3900;
	[sflag:s17] =	ssyncadd.s32 $0xFFFFF000  }
.LBB2_5:
0x74: {  	v1 =	vmov s25  }
0x75: {  	v1 =	vshll.u32 v1, $0x5  }
0x76: {  	v1 =	vor.u32 v0, v1  }
0x77: {  	v2 =	vor.u32 $0x1, v1  }
0x78: {  	v3 =	vor.u32 $0x2, v1  }
0x79: {  	v4 =	vor.u32 $0x3, v1  }
0x7a: {  	v5 =	vor.u32 $0x4, v1  }
0x7b: {  	v7 =	vor.u32 $0x5, v1;
	v6 =	vld.idx.msk [tilespmem:v1+s13+$0x0], $0xffff  }
0x7c: {  	v8 =	vor.u32 $0x6, v1;
	v2 =	vld.idx.msk [tilespmem:v2+s13+$0x0], $0xffff  }
0x7d: {  	v9 =	vor.u32 $0x7, v1;
	v3 =	vld.idx.msk [tilespmem:v3+s13+$0x0], $0xffff  }
0x7e: {  	v4 =	vld.idx.msk [tilespmem:v4+s13+$0x0], $0xffff  }
0x7f: {  	v5 =	vld.idx.msk [tilespmem:v5+s13+$0x0], $0xffff  }
0x80: {  	v7 =	vld.idx.msk [tilespmem:v7+s13+$0x0], $0xffff  }
0x81: {  	v8 =	vld.idx.msk [tilespmem:v8+s13+$0x0], $0xffff  }
0x82: {  	v9 =	vld.idx.msk [tilespmem:v9+s13+$0x0], $0xffff;
	[tilespmem:s26+$0xFFFFF800] =	vst v6  }
0x83: {  	[tilespmem:s26+$0xFFFFF880] =	vst v2  }
0x84: {  	[tilespmem:s26+$0xFFFFF900] =	vst v3  }
0x85: {  	v47 =	vor.u32 $0xA, v1;
	[tilespmem:s26+$0xFFFFF980] =	vst v4  }
0x86: {  	v48 =	vor.u32 $0xB, v1;
	[tilespmem:s26+$0xFFFFFA00] =	vst v5  }
0x87: {  	v49 =	vor.u32 $0xC, v1;
	[tilespmem:s26+$0xFFFFFA80] =	vst v7  }
0x88: {  	v50 =	vor.u32 $0xD, v1;
	[tilespmem:s26+$0xFFFFFB00] =	vst v8  }
0x89: {  	v51 =	vor.u32 $0xE, v1;
	[tilespmem:s26+$0xFFFFFB80] =	vst v9  }
0x8a: {  	v52 =	vor.u32 $0xF, v1;
	v4 =	vld.idx.msk [tilespmem:v47+s13+$0x0], $0xffff  }
0x8b: {  	v2 =	vor.u32 $0x8, v1;
	v5 =	vld.idx.msk [tilespmem:v48+s13+$0x0], $0xffff  }
0x8c: {  	v3 =	vor.u32 $0x9, v1;
	v6 =	vld.idx.msk [tilespmem:v49+s13+$0x0], $0xffff  }
0x8d: {  	v7 =	vld.idx.msk [tilespmem:v50+s13+$0x0], $0xffff  }
0x8e: {  	v8 =	vld.idx.msk [tilespmem:v51+s13+$0x0], $0xffff  }
0x8f: {  	v9 =	vld.idx.msk [tilespmem:v52+s13+$0x0], $0xffff  }
0x90: {  	v2 =	vld.idx.msk [tilespmem:v2+s13+$0x0], $0xffff  }
0x91: {  	v3 =	vld.idx.msk [tilespmem:v3+s13+$0x0], $0xffff;
	[tilespmem:s26+$0xFFFFFD00] =	vst v4  }
0x92: {  	[tilespmem:s26+$0xFFFFFD80] =	vst v5  }
0x93: {  	[tilespmem:s26+$0xFFFFFE00] =	vst v6  }
0x94: {  	v53 =	vor.u32 $0x12, v1;
	[tilespmem:s26+$0xFFFFFE80] =	vst v7  }
0x95: {  	v54 =	vor.u32 $0x13, v1;
	[tilespmem:s26+$0xFFFFFF00] =	vst v8  }
0x96: {  	v55 =	vor.u32 $0x14, v1;
	[tilespmem:s26+$0xFFFFFF80] =	vst v9  }
0x97: {  	v56 =	vor.u32 $0x15, v1;
	[tilespmem:s26+$0xFFFFFC00] =	vst v2  }
0x98: {  	v57 =	vor.u32 $0x16, v1;
	[tilespmem:s26+$0xFFFFFC80] =	vst v3  }
0x99: {  	v58 =	vor.u32 $0x17, v1;
	v4 =	vld.idx.msk [tilespmem:v53+s13+$0x0], $0xffff  }
0x9a: {  	v2 =	vor.u32 $0x10, v1;
	v5 =	vld.idx.msk [tilespmem:v54+s13+$0x0], $0xffff  }
0x9b: {  	v3 =	vor.u32 $0x11, v1;
	v6 =	vld.idx.msk [tilespmem:v55+s13+$0x0], $0xffff  }
0x9c: {  	v7 =	vld.idx.msk [tilespmem:v56+s13+$0x0], $0xffff  }
0x9d: {  	v8 =	vld.idx.msk [tilespmem:v57+s13+$0x0], $0xffff  }
0x9e: {  	v9 =	vld.idx.msk [tilespmem:v58+s13+$0x0], $0xffff  }
0x9f: {  	v2 =	vld.idx.msk [tilespmem:v2+s13+$0x0], $0xffff  }
0xa0: {  	v3 =	vld.idx.msk [tilespmem:v3+s13+$0x0], $0xffff;
	[tilespmem:s26+$0x100] =	vst v4  }
0xa1: {  	[tilespmem:s26+$0x180] =	vst v5  }
0xa2: {  	[tilespmem:s26+$0x200] =	vst v6  }
0xa3: {  	v59 =	vor.u32 $0x1A, v1;
	[tilespmem:s26+$0x280] =	vst v7  }
0xa4: {  	v60 =	vor.u32 $0x1B, v1;
	[tilespmem:s26+$0x300] =	vst v8  }
0xa5: {  	v61 =	vor.u32 $0x1C, v1;
	[tilespmem:s26+$0x380] =	vst v9  }
0xa6: {  	v62 =	vor.u32 $0x1D, v1;
	[tilespmem:s26+$0x0] =	vst v2  }
0xa7: {  	v63 =	vor.u32 $0x1E, v1;
	[tilespmem:s26+$0x80] =	vst v3  }
0xa8: {  	v2 =	vor.u32 $0x18, v1;
	v4 =	vld.idx.msk [tilespmem:v59+s13+$0x0], $0xffff  }
0xa9: {  	v3 =	vor.u32 $0x19, v1;
	v5 =	vld.idx.msk [tilespmem:v60+s13+$0x0], $0xffff  }
0xaa: {  	v1 =	vor.u32 $0x1F, v1;
	v6 =	vld.idx.msk [tilespmem:v61+s13+$0x0], $0xffff  }
0xab: {  	v7 =	vld.idx.msk [tilespmem:v62+s13+$0x0], $0xffff  }
0xac: {  	v8 =	vld.idx.msk [tilespmem:v63+s13+$0x0], $0xffff  }
0xad: {  	v2 =	vld.idx.msk [tilespmem:v2+s13+$0x0], $0xffff  }
0xae: {  	v3 =	vld.idx.msk [tilespmem:v3+s13+$0x0], $0xffff  }
0xaf: {  	v1 =	vld.idx.msk [tilespmem:v1+s13+$0x0], $0xffff;
	[tilespmem:s26+$0x500] =	vst v4  }
0xb0: {  	[tilespmem:s26+$0x580] =	vst v5  }
0xb1: {  	p1 =	sne.s32 s25, $0x70;
	[tilespmem:s26+$0x600] =	vst v6  }
.Ltmp1:
0xb2: {  	[tilespmem:s26+$0x680] =	vst v7;
	(pc) =	sbr.rel @p1 .LBB2_5-.Ltmp1, $4  }
0xb3: {  	[tilespmem:s26+$0x700] =	vst v8  }
0xb4: {  	[tilespmem:s26+$0x400] =	vst v2  }
0xb5: {  	[tilespmem:s26+$0x480] =	vst v3  }
0xb6: {  	s25 =	sadd.s32 $0x10, s25;
	[tilespmem:s26+$0x780] =	vst v1;
	s26 =	sadd.s32 $0x10, s26  }
0xb7: {  	s25 =	simm.s32 @!p0 $0x4  }
0xb8: {  	_ =	swait.ge @!p0 [sflag:s25], $0x1000  }
0xb9: {  	s22 =	sadd.s32 $0x1, s22;
	[sflag:s25] =	ssyncset.done @!p0 $0x0  }
0xba: {  	[sflag:s25] =	ssyncadd.s32 @!p0 $0xFFFFF000;
	p0 =	sne.s32 s22, $0xD  }
.Ltmp2:
0xbb: {  	_ = 	snop;
	(pc) =	sbr.rel @p0 .LBB2_2-.Ltmp2, $4  }
0xbc: {  	s23 =	sshll.u32 s23, $0x9  }
0xbd: {  	s24 =	sadd.s32 s6, s24;
	s23 =	sand.u32 $0xFFFC000, s23  }
0xbe: {  	s23 =	sadd.s32 s23, s24  }
0xbf: {  	[hbm4b:s23+s11] =	stream.strided.scatter [tilespmem:s18], [sflag:$0x4], $0x1000, s15, s11, $0x38;
	[tilespmem:$0x4100] =	vst v63  }
0xc0: {  	s21 =	sadd.s32 $0x1, s21  }
0xc1: {  	_ =	swait.ge [sflag:s19], $0x1000;
	p0 =	sne.s32 s21, s9  }
.Ltmp3:
0xc2: {  	[sflag:s19] =	ssyncset.done $0x0;
	(pc) =	sbr.rel @p0 .LBB2_1-.Ltmp3, $4  }
0xc3: {  	[sflag:s19] =	ssyncadd.s32 $0xFFFFF000  }
0xc4: {  	_ =	swait.ge [sflag:s20], $0x1000  }
0xc5: {  	[sflag:s20] =	ssyncset.done $0x0  }
0xc6: {  	[sflag:s20] =	ssyncadd.s32 $0xFFFFF000  }
0xc7: {  	_ =	sfence.sel $0x180000  }
0xc8: {  	[bflag:$0x0] =	sbarrier.arrive $0xFFFF  }
0xc9: {  	p0 =	sne.s32 s0, $0x0;
	_ =	strace $0x90000047  }
0xca: {  	s0 =	sadd.s32 @!p0 $0x100000, s1;
	[bflag:$0x2] =	sbarrier.arrive $0xFFFF  }
0xcb: {  	[sflag:s0] =	ssyncadd.tile.s32 @!p0 $0x1;
	_ =	shalt  }
.Lfunc_end2:
_tile_overlayer_lowered:
.L_overlay_start_2:
0xcc: {  	(tag) =	ssettag $0x2  }
0xcd: {  	s0 =	rddreg [dreg:$0x0];
	s2 =	stileid.u32  }
0xce: {  	s1 =	rddreg [dreg:$0x1];
	p0 =	sne.s32 s2, $0x0  }
0xcf: {  	s3 =	rddreg [dreg:$0x2];
	[bflag:$0x3] =	sbarrier.arrive $0xFFFF;
	s2 =	simm.s32 @!p0 $0x1C05  }
0xd0: {  	[timem:s3], [sflag:s2] =	dma.local @!p0 [hbm:s0], s1  }
0xd1: {  	s0 =	simm.s32 @!p0 $0x5  }
0xd2: {  	_ =	swait.ge @!p0 [sflag:s0], s1  }
0xd3: {  	s1 =	ssub.s32 @!p0 $0x0, s1;
	[sflag:s0] =	ssyncset.done @!p0 $0x0  }
0xd4: {  	[sflag:s0] =	ssyncadd.s32 @!p0 s1  }
0xd5: {  	[bflag:$0x3] =	sbarrier.arrive $0xFFFF  }
0xd6: {  	_ =	shalt  }

</sc_bundles>
